<compile_context>
chip_gen: v7x
topology: tpu7x:2x2x1
jax: 0.10.2.dev20260603
libtpu: 0.0.44.dev20260713+nightly
codegen_flags: <defaults>
</compile_context>

<pallas_src>
import dataclasses
import functools

import jax
import jax.numpy as jnp
from jax import lax
from jax.experimental import pallas as pl
from jax.experimental.pallas import tpu as pltpu
from jax.experimental.pallas import tpu_sc as plsc

N_NODES = 10000
N_PAD = 10240
N_EDGES = 320000
D_FEAT = 128

NC = 2
NS = 16
NW = NC * NS
EPW = N_EDGES // NW
CHUNK = 80
NCHUNK = EPW // CHUNK
ROWS_PER_SUB = N_PAD // NS

_f32 = jnp.float32


def _sc_agg():
    mesh = plsc.VectorSubcoreMesh(core_axis_name="c", subcore_axis_name="s")
    out_type = jax.ShapeDtypeStruct((NC * N_PAD, D_FEAT), _f32)
    scratch = [
        pltpu.VMEM((EPW,), jnp.int32),
        pltpu.VMEM((NCHUNK, CHUNK), jnp.int32),
        pltpu.VMEM((CHUNK, D_FEAT), _f32),
        pltpu.VMEM((CHUNK, D_FEAT), _f32),
        pltpu.VMEM_SHARED((N_PAD, D_FEAT), _f32),
        pltpu.SemaphoreType.DMA,
        pltpu.SemaphoreType.DMA,
    ]

    @functools.partial(pl.kernel, out_type=out_type, mesh=mesh,
                       scratch_types=scratch)
    def agg(x_hbm, src_hbm, dst3_hbm, out_hbm, src_v, dst_v, rows_a, rows_b,
            acc_sh, sem_a, sem_b):
        c = lax.axis_index("c")
        s = lax.axis_index("s")
        wid = s * NC + c
        base_row = s * ROWS_PER_SUB

        zero16 = jnp.zeros((16,), _f32)

        stage_src = pltpu.async_copy(src_hbm.at[pl.ds(wid * EPW, EPW)],
                                     src_v, sem_a)
        stage_dst = pltpu.async_copy(dst3_hbm.at[wid], dst_v, sem_b)

        @pl.loop(0, CHUNK)
        def _(r):
            @pl.loop(0, D_FEAT, step=16)
            def _(col):
                rows_a[r, pl.ds(col, 16)] = zero16

        @pl.loop(0, ROWS_PER_SUB, step=CHUNK)
        def _(r0):
            pltpu.sync_copy(rows_a, acc_sh.at[pl.ds(base_row + r0, CHUNK)])

        stage_src.wait()
        stage_dst.wait()
        plsc.subcore_barrier()

        def gather(i, buf, sem):
            return pltpu.async_copy(
                x_hbm.at[src_v.at[pl.ds(i * CHUNK, CHUNK)]], buf, sem)

        def finish(i, buf, sem):
            pltpu.make_async_copy(
                x_hbm.at[src_v.at[pl.ds(i * CHUNK, CHUNK)]], buf, sem).wait()
            pltpu.sync_copy(buf, acc_sh.at[dst_v.at[i]], add=True)

        gather(0, rows_a, sem_a)

        @pl.loop(0, NCHUNK - 1, step=2)
        def _(i):
            gather(i + 1, rows_b, sem_b)
            finish(i, rows_a, sem_a)
            gather(i + 2, rows_a, sem_a)
            finish(i + 1, rows_b, sem_b)

        finish(NCHUNK - 1, rows_a, sem_a)

        plsc.subcore_barrier()

        out_base = c * N_PAD + base_row
        pltpu.sync_copy(acc_sh.at[pl.ds(base_row, ROWS_PER_SUB)],
                        out_hbm.at[pl.ds(out_base, ROWS_PER_SUB)])

    return agg


def _sc_counts():
    mesh = plsc.VectorSubcoreMesh(core_axis_name="c", subcore_axis_name="s")
    out_type = jax.ShapeDtypeStruct((NC * NS * N_PAD,), _f32)
    scratch = [
        pltpu.VMEM((EPW,), jnp.int32),
        pltpu.VMEM((N_PAD,), _f32),
    ]
    cp = pltpu.CompilerParams()
    if "needs_layout_passes" in pltpu.CompilerParams.__dataclass_fields__:
        cp = dataclasses.replace(cp, needs_layout_passes=False)

    @functools.partial(pl.kernel, out_type=out_type, mesh=mesh,
                       scratch_types=scratch, compiler_params=cp)
    def cntk(dst_hbm, out_hbm, dst_v, cnt_v):
        c = lax.axis_index("c")
        s = lax.axis_index("s")
        wid = s * NC + c

        zero16 = jnp.zeros((16,), _f32)
        ones16 = jnp.full((16,), 1.0, _f32)

        pltpu.sync_copy(dst_hbm.at[pl.ds(wid * EPW, EPW)], dst_v)

        @pl.loop(0, N_PAD, step=16)
        def _(k):
            cnt_v[pl.ds(k, 16)] = zero16

        @pl.loop(0, EPW, step=16)
        def _(j0):
            d16 = dst_v[pl.ds(j0, 16)]
            plsc.addupdate_scatter(cnt_v, [d16], ones16)

        pltpu.sync_copy(cnt_v, out_hbm.at[pl.ds(wid * N_PAD, N_PAD)])

    return cntk


_sc_agg_k = _sc_agg()
_sc_counts_k = _sc_counts()

BR = 1024


def _tc_matmul(x, w, b):
    dout = w.shape[1]

    def body(x_ref, w_ref, b_ref, o_ref):
        o_ref[...] = jnp.dot(x_ref[...], w_ref[...],
                             preferred_element_type=_f32) + b_ref[...]

    return pl.pallas_call(
        body,
        grid=(pl.cdiv(N_NODES, BR),),
        in_specs=[
            pl.BlockSpec((BR, x.shape[1]), lambda i: (i, 0)),
            pl.BlockSpec((x.shape[1], dout), lambda i: (0, 0)),
            pl.BlockSpec((1, dout), lambda i: (0, 0)),
        ],
        out_specs=pl.BlockSpec((BR, dout), lambda i: (i, 0)),
        out_shape=jax.ShapeDtypeStruct((N_NODES, dout), _f32),
    )(x, w, b.reshape(1, dout))


def _tc_combine(xs, acc, cnt, w_neigh, act):
    dout = w_neigh.shape[1]

    def body(xs_ref, acc_ref, cnt_ref, w_ref, o_ref):
        total = acc_ref[0] + acc_ref[1]
        n = jnp.sum(cnt_ref[...], axis=0)
        mean = total * (1.0 / jnp.maximum(n, 1.0))[:, None]
        r = xs_ref[...] + jnp.dot(mean, w_ref[...],
                                  preferred_element_type=_f32)
        if act == "relu":
            o_ref[...] = jnp.maximum(r, 0.0)
        else:
            m = jnp.max(r, axis=1, keepdims=True)
            e = jnp.exp(r - m)
            o_ref[...] = e / jnp.sum(e, axis=1, keepdims=True)

    return pl.pallas_call(
        body,
        grid=(pl.cdiv(N_NODES, BR),),
        in_specs=[
            pl.BlockSpec((BR, dout), lambda i: (i, 0)),
            pl.BlockSpec((NC, BR, D_FEAT), lambda i: (0, i, 0)),
            pl.BlockSpec((NC * NS, BR), lambda i: (0, i)),
            pl.BlockSpec((D_FEAT, dout), lambda i: (0, 0)),
        ],
        out_specs=pl.BlockSpec((BR, dout), lambda i: (i, 0)),
        out_shape=jax.ShapeDtypeStruct((N_NODES, dout), _f32),
    )(xs, acc, cnt, w_neigh)


def kernel(x, edge_index, W1_self, W1_neigh, b1, W2_self, W2_neigh, b2):
    src = edge_index[0].astype(jnp.int32)
    dst = edge_index[1].astype(jnp.int32)
    dst3 = dst.reshape(NW, NCHUNK, CHUNK)

    acc1 = _sc_agg_k(x, src, dst3).reshape(NC, N_PAD, D_FEAT)
    cnt = _sc_counts_k(dst).reshape(NC * NS, N_PAD)
    xs = _tc_matmul(x, W1_self, b1)
    h = _tc_combine(xs, acc1, cnt, W1_neigh, "relu")

    acc2 = _sc_agg_k(h, src, dst3).reshape(NC, N_PAD, D_FEAT)
    hs = _tc_matmul(h, W2_self, b2)
    return _tc_combine(hs, acc2, cnt, W2_neigh, "softmax")

# --- scband reference (transcript-rebuilt; emitter-appended) ---
"""Pipeline reference for scband-sagenet-60816736911616 (READ-ONLY COPY).

The authoritative reference and input builder live on the scoring server;
editing this copy changes nothing except your own understanding.
"""

import jax, jax.numpy as jnp
import numpy as np

N_NODES = 10000
N_EDGES = 320000
D_IN = 128
D_HID = 128
D_OUT = 64


def setup_inputs(seed: int = 0) -> dict:
    key = jax.random.key(seed)
    ks = jax.random.split(key, 8)
    x = jax.random.normal(ks[0], (N_NODES, D_IN), dtype=jnp.float32)
    edge_index = jax.random.randint(ks[1], (2, N_EDGES), 0, N_NODES, dtype=jnp.int64)
    W1_self = jax.random.normal(ks[2], (D_IN, D_HID), dtype=jnp.float32) * 0.05
    W1_neigh = jax.random.normal(ks[3], (D_IN, D_HID), dtype=jnp.float32) * 0.05
    b1 = jnp.zeros((D_HID,), dtype=jnp.float32)
    W2_self = jax.random.normal(ks[4], (D_HID, D_OUT), dtype=jnp.float32) * 0.05
    W2_neigh = jax.random.normal(ks[5], (D_HID, D_OUT), dtype=jnp.float32) * 0.05
    b2 = jnp.zeros((D_OUT,), dtype=jnp.float32)
    return {
        "x": x,
        "edge_index": edge_index,
        "W1_self": W1_self,
        "W1_neigh": W1_neigh,
        "b1": b1,
        "W2_self": W2_self,
        "W2_neigh": W2_neigh,
        "b2": b2,
    }


def _sage_conv(h, src, dst, n_nodes, W_self, W_neigh, b):
    # SAGEConv (mean aggregation): out = h @ W_self + mean_{j in N(i)} h_j @ W_neigh + b
    msgs = jnp.take(h, src, axis=0)                     # gather   [E, d]
    summed = jax.ops.segment_sum(msgs, dst, num_segments=n_nodes)  # scatter-add [N, d]
    ones = jnp.ones((src.shape[0],), dtype=h.dtype)
    cnt = jax.ops.segment_sum(ones, dst, num_segments=n_nodes)
    mean = summed / jnp.maximum(cnt, 1.0)[:, None]
    return h @ W_self + mean @ W_neigh + b


def reference(x, edge_index, W1_self, W1_neigh, b1, W2_self, W2_neigh, b2):
    src = edge_index[0]
    dst = edge_index[1]
    n = x.shape[0]
    h = _sage_conv(x, src, dst, n, W1_self, W1_neigh, b1)
    h = jax.nn.relu(h)
    # dropout is identity in eval mode (training=False)
    out = _sage_conv(h, src, dst, n, W2_self, W2_neigh, b2)
    return jax.nn.softmax(out, axis=1)

if __name__ == "__main__":
    import jax
    _d = setup_inputs()
    print(jax.jit(kernel)(*tuple(_d.values())))

</pallas_src>

<mosaic_0001>
#map = affine_map<(d0, d1) -> (0, 0)>
#map1 = affine_map<(d0, d1) -> (0)>
#map2 = affine_map<(d0, d1) -> (0, 0, 0)>
module attributes {stable_mosaic.version = 14 : i64} {
  func.func @agg(%arg0: i32, %arg1: i32, %arg2: memref<10000x128xf32, #tpu.memory_space<hbm>>, %arg3: memref<320000xi32, #tpu.memory_space<hbm>>, %arg4: memref<32x125x80xi32, #tpu.memory_space<hbm>>, %arg5: memref<20480x128xf32, #tpu.memory_space<hbm>>, %arg6: memref<10000xi32, #tpu.memory_space<vmem>>, %arg7: memref<125x80xi32, #tpu.memory_space<vmem>>, %arg8: memref<80x128xf32, #tpu.memory_space<vmem>>, %arg9: memref<80x128xf32, #tpu.memory_space<vmem>>, %arg10: memref<10240x128xf32, #tpu.memory_space<vmem_shared>>, %arg11: memref<!tpu.dma_semaphore, #tpu.memory_space<semaphore_mem>>, %arg12: memref<!tpu.dma_semaphore, #tpu.memory_space<semaphore_mem>>) attributes {dimension_semantics = [#tpu.dimension_semantics<core_parallel>, #tpu.dimension_semantics<subcore_parallel>], iteration_bounds = array<i64: 2, 16>, scalar_prefetch = 0 : i64, scratch_operands = 7 : i64, tpu.core_type = #tpu.core_type<sc_vector_subcore>, window_params = [{transform_indices = #map}, {transform_indices = #map1}, {transform_indices = #map2}, {transform_indices = #map}]} {
    %mul3A = arith.constant 2 : i32
    %mul3A_0 = arith.muli %arg1, %mul3A : i32
    %add3A = arith.addi %mul3A_0, %arg0 : i32
    %mul3A_1 = arith.constant 640 : i32
    %mul3A_2 = arith.muli %arg1, %mul3A_1 : i32
    %broadcast_in_dim3A = arith.constant 0.000000e+00 : f32
    %broadcast_in_dim3A_3 = vector.broadcast %broadcast_in_dim3A : f32 to vector<16xf32>
    %mul3A_4 = arith.constant 10000 : i32
    %mul3A_5 = arith.muli %add3A, %mul3A_4 : i32
    %dma_start3A = tpu.memref_slice %arg3[%mul3A_5] : memref<320000xi32, #tpu.memory_space<hbm>> -> memref<10000xi32, #tpu.memory_space<hbm>>
    %dma_start3A_6 = tpu.memref_slice %arg3[%mul3A_5] : memref<320000xi32, #tpu.memory_space<hbm>> -> memref<10000xi32, #tpu.memory_space<hbm>>
    tpu.enqueue_dma source(%dma_start3A_6 : memref<10000xi32, #tpu.memory_space<hbm>>) target(%arg6 : memref<10000xi32, #tpu.memory_space<vmem>>) target_semaphore(%arg11 : memref<!tpu.dma_semaphore, #tpu.memory_space<semaphore_mem>>)
    %dma_start3A_7 = arith.constant 0 : i32
    %dma_start3A_8 = arith.constant 0 : i32
    %dma_start3A_9 = tpu.memref_slice %arg4[%add3A, %dma_start3A_7, %dma_start3A_8] : memref<32x125x80xi32, #tpu.memory_space<hbm>> -> memref<1x125x80xi32, #tpu.memory_space<hbm>>
    %dma_start3A_10 = tpu.memref_squeeze %dma_start3A_9 : memref<1x125x80xi32, #tpu.memory_space<hbm>> -> memref<125x80xi32, #tpu.memory_space<hbm>>
    %dma_start3A_11 = arith.constant 0 : i32
    %dma_start3A_12 = arith.constant 0 : i32
    %dma_start3A_13 = tpu.memref_slice %arg4[%add3A, %dma_start3A_11, %dma_start3A_12] : memref<32x125x80xi32, #tpu.memory_space<hbm>> -> memref<1x125x80xi32, #tpu.memory_space<hbm>>
    %dma_start3A_14 = tpu.memref_squeeze %dma_start3A_13 : memref<1x125x80xi32, #tpu.memory_space<hbm>> -> memref<125x80xi32, #tpu.memory_space<hbm>>
    tpu.enqueue_dma source(%dma_start3A_14 : memref<125x80xi32, #tpu.memory_space<hbm>>) target(%arg7 : memref<125x80xi32, #tpu.memory_space<vmem>>) target_semaphore(%arg12 : memref<!tpu.dma_semaphore, #tpu.memory_space<semaphore_mem>>)
    %scan3A = arith.constant 0 : i32
    %scan3A_15 = arith.constant 80 : i32
    %scan3A_16 = arith.addi %scan3A, %scan3A_15 : i32
    %scan3A_17 = arith.constant 1 : i32
    scf.for %scan3A_52 = %scan3A to %scan3A_16 step %scan3A_17  : i32 {
      %mul3A_53 = arith.constant 1 : i32
      %mul3A_54 = arith.muli %scan3A_52, %mul3A_53 : i32
      %add3A_55 = arith.constant 0 : i32
      %add3A_56 = arith.addi %add3A_55, %mul3A_54 : i32
      %scan3A_57 = arith.constant 0 : i32
      %scan3A_58 = arith.constant 8 : i32
      %scan3A_59 = arith.addi %scan3A_57, %scan3A_58 : i32
      %scan3A_60 = arith.constant 1 : i32
      scf.for %scan3A_62 = %scan3A_57 to %scan3A_59 step %scan3A_60  : i32 {
        %mul3A_63 = arith.constant 16 : i32
        %mul3A_64 = arith.muli %scan3A_62, %mul3A_63 : i32
        %add3A_65 = arith.constant 0 : i32
        %add3A_66 = arith.addi %add3A_65, %mul3A_64 : i32
        %swap3A = arith.index_cast %add3A_56 : i32 to index
        %swap3A_67 = arith.index_cast %add3A_66 : i32 to index
        %swap3A_68 = tpu.vector_load %arg8[%swap3A, %swap3A_67] {strides = array<i32>} : memref<80x128xf32, #tpu.memory_space<vmem>>, vector<1x16xf32>,
        %swap3A_69 = vector.shape_cast %swap3A_68 : vector<1x16xf32> to vector<16xf32>
        %swap3A_70 = vector.shape_cast %broadcast_in_dim3A_3 : vector<16xf32> to vector<1x16xf32>
        tpu.vector_store %arg8[%swap3A, %swap3A_67], %swap3A_70 {strides = array<i32>} : memref<80x128xf32, #tpu.memory_space<vmem>>, vector<1x16xf32>,
      }
      %scan3A_61 = arith.constant 8 : i32
    }
    %scan3A_18 = arith.constant 80 : i32
    %scan3A_19 = arith.constant 0 : i32
    %scan3A_20 = arith.constant 8 : i32
    %scan3A_21 = arith.addi %scan3A_19, %scan3A_20 : i32
    %scan3A_22 = arith.constant 1 : i32
    scf.for %scan3A_52 = %scan3A_19 to %scan3A_21 step %scan3A_22  : i32 {
      %mul3A_53 = arith.constant 80 : i32
      %mul3A_54 = arith.muli %scan3A_52, %mul3A_53 : i32
      %add3A_55 = arith.constant 0 : i32
      %add3A_56 = arith.addi %add3A_55, %mul3A_54 : i32
      %add3A_57 = arith.addi %mul3A_2, %add3A_56 : i32
      "tpu.region"() ({
        %run_scoped3A_58 = tpu.sem_alloc : memref<!tpu.dma_semaphore, #tpu.memory_space<semaphore_mem>>
        %dma_start3A_59 = arith.constant 0 : i32
        %dma_start3A_60 = tpu.memref_slice %arg10[%add3A_57, %dma_start3A_59] : memref<10240x128xf32, #tpu.memory_space<vmem_shared>> -> memref<80x128xf32, #tpu.memory_space<vmem_shared>>
        %dma_start3A_61 = arith.constant 0 : i32
        %dma_start3A_62 = tpu.memref_slice %arg10[%add3A_57, %dma_start3A_61] : memref<10240x128xf32, #tpu.memory_space<vmem_shared>> -> memref<80x128xf32, #tpu.memory_space<vmem_shared>>
        tpu.enqueue_dma source(%arg8 : memref<80x128xf32, #tpu.memory_space<vmem>>) target(%dma_start3A_62 : memref<80x128xf32, #tpu.memory_space<vmem_shared>>) target_semaphore(%run_scoped3A_58 : memref<!tpu.dma_semaphore, #tpu.memory_space<semaphore_mem>>)
        %dma_wait3A_63 = arith.constant 0 : i32
        %dma_wait3A_64 = tpu.memref_slice %arg10[%add3A_57, %dma_wait3A_63] : memref<10240x128xf32, #tpu.memory_space<vmem_shared>> -> memref<80x128xf32, #tpu.memory_space<vmem_shared>>
        %dma_wait3A_65 = arith.constant 0 : i32
        %dma_wait3A_66 = tpu.memref_slice %arg10[%add3A_57, %dma_wait3A_65] : memref<10240x128xf32, #tpu.memory_space<vmem_shared>> -> memref<80x128xf32, #tpu.memory_space<vmem_shared>>
        tpu.wait_dma2 semaphore(%run_scoped3A_58 : memref<!tpu.dma_semaphore, #tpu.memory_space<semaphore_mem>>) src(%arg8 : memref<80x128xf32, #tpu.memory_space<vmem>>) dst(%dma_wait3A_66 : memref<80x128xf32, #tpu.memory_space<vmem_shared>>)
        tpu.yield
      }) : () -> ()
    }
    %scan3A_23 = arith.constant 8 : i32
    %dma_wait3A = tpu.memref_slice %arg3[%mul3A_5] : memref<320000xi32, #tpu.memory_space<hbm>> -> memref<10000xi32, #tpu.memory_space<hbm>>
    %dma_wait3A_24 = tpu.memref_slice %arg3[%mul3A_5] : memref<320000xi32, #tpu.memory_space<hbm>> -> memref<10000xi32, #tpu.memory_space<hbm>>
    tpu.wait_dma2 semaphore(%arg11 : memref<!tpu.dma_semaphore, #tpu.memory_space<semaphore_mem>>) src(%dma_wait3A_24 : memref<10000xi32, #tpu.memory_space<hbm>>) dst(%arg6 : memref<10000xi32, #tpu.memory_space<vmem>>)
    %dma_wait3A_25 = arith.constant 0 : i32
    %dma_wait3A_26 = arith.constant 0 : i32
    %dma_wait3A_27 = tpu.memref_slice %arg4[%add3A, %dma_wait3A_25, %dma_wait3A_26] : memref<32x125x80xi32, #tpu.memory_space<hbm>> -> memref<1x125x80xi32, #tpu.memory_space<hbm>>
    %dma_wait3A_28 = tpu.memref_squeeze %dma_wait3A_27 : memref<1x125x80xi32, #tpu.memory_space<hbm>> -> memref<125x80xi32, #tpu.memory_space<hbm>>
    %dma_wait3A_29 = arith.constant 0 : i32
    %dma_wait3A_30 = arith.constant 0 : i32
    %dma_wait3A_31 = tpu.memref_slice %arg4[%add3A, %dma_wait3A_29, %dma_wait3A_30] : memref<32x125x80xi32, #tpu.memory_space<hbm>> -> memref<1x125x80xi32, #tpu.memory_space<hbm>>
    %dma_wait3A_32 = tpu.memref_squeeze %dma_wait3A_31 : memref<1x125x80xi32, #tpu.memory_space<hbm>> -> memref<125x80xi32, #tpu.memory_space<hbm>>
    tpu.wait_dma2 semaphore(%arg12 : memref<!tpu.dma_semaphore, #tpu.memory_space<semaphore_mem>>) src(%dma_wait3A_32 : memref<125x80xi32, #tpu.memory_space<hbm>>) dst(%arg7 : memref<125x80xi32, #tpu.memory_space<vmem>>)
    %barrier3A = arith.constant 0 : index
    tpu.barrier barrier_id(%barrier3A)
    %dma_start3A_33 = arith.constant 0 : i32
    %dma_start3A_34 = tpu.memref_slice %arg6[%dma_start3A_33] : memref<10000xi32, #tpu.memory_space<vmem>> -> memref<80xi32, #tpu.memory_space<vmem>>
    %dma_start3A_35 = arith.constant 0 : i32
    %dma_start3A_36 = arith.constant 0 : i32
    %dma_start3A_37 = tpu.memref_slice %arg2[%dma_start3A_35, %dma_start3A_36] : memref<10000x128xf32, #tpu.memory_space<hbm>> -> memref<10000x128xf32, #tpu.memory_space<hbm>>
    tpu.enqueue_indirect_dma source(%dma_start3A_37 : memref<10000x128xf32, #tpu.memory_space<hbm>>) target(%arg8 : memref<80x128xf32, #tpu.memory_space<vmem>>) offsets(%dma_start3A_34 : memref<80xi32, #tpu.memory_space<vmem>>) semaphore(%arg11 : memref<!tpu.dma_semaphore, #tpu.memory_space<semaphore_mem>>)
    %scan3A_38 = arith.constant 0 : i32
    %scan3A_39 = arith.constant 62 : i32
    %scan3A_40 = arith.addi %scan3A_38, %scan3A_39 : i32
    %scan3A_41 = arith.constant 1 : i32
    scf.for %scan3A_52 = %scan3A_38 to %scan3A_40 step %scan3A_41  : i32 {
      %mul3A_53 = arith.constant 2 : i32
      %mul3A_54 = arith.muli %scan3A_52, %mul3A_53 : i32
      %add3A_55 = arith.constant 0 : i32
      %add3A_56 = arith.addi %add3A_55, %mul3A_54 : i32
      %add3A_57 = arith.constant 1 : i32
      %add3A_58 = arith.addi %add3A_56, %add3A_57 : i32
      %mul3A_59 = arith.constant 80 : i32
      %mul3A_60 = arith.muli %add3A_58, %mul3A_59 : i32
      %dma_start3A_61 = tpu.memref_slice %arg6[%mul3A_60] : memref<10000xi32, #tpu.memory_space<vmem>> -> memref<80xi32, #tpu.memory_space<vmem>>
      %dma_start3A_62 = arith.constant 0 : i32
      %dma_start3A_63 = arith.constant 0 : i32
      %dma_start3A_64 = tpu.memref_slice %arg2[%dma_start3A_62, %dma_start3A_63] : memref<10000x128xf32, #tpu.memory_space<hbm>> -> memref<10000x128xf32, #tpu.memory_space<hbm>>
      tpu.enqueue_indirect_dma source(%dma_start3A_64 : memref<10000x128xf32, #tpu.memory_space<hbm>>) target(%arg9 : memref<80x128xf32, #tpu.memory_space<vmem>>) offsets(%dma_start3A_61 : memref<80xi32, #tpu.memory_space<vmem>>) semaphore(%arg12 : memref<!tpu.dma_semaphore, #tpu.memory_space<semaphore_mem>>)
      %mul3A_65 = arith.constant 80 : i32
      %mul3A_66 = arith.muli %add3A_56, %mul3A_65 : i32
      %dma_wait3A_67 = tpu.memref_slice %arg6[%mul3A_66] : memref<10000xi32, #tpu.memory_space<vmem>> -> memref<80xi32, #tpu.memory_space<vmem>>
      %dma_wait3A_68 = arith.constant 0 : i32
      %dma_wait3A_69 = arith.constant 0 : i32
      %dma_wait3A_70 = tpu.memref_slice %arg2[%dma_wait3A_68, %dma_wait3A_69] : memref<10000x128xf32, #tpu.memory_space<hbm>> -> memref<10000x128xf32, #tpu.memory_space<hbm>>
      tpu.wait_indirect_dma semaphore(%arg11 : memref<!tpu.dma_semaphore, #tpu.memory_space<semaphore_mem>>) src(%dma_wait3A_70 : memref<10000x128xf32, #tpu.memory_space<hbm>>) dst(%arg8 : memref<80x128xf32, #tpu.memory_space<vmem>>)
      "tpu.region"() ({
        %run_scoped3A_87 = tpu.sem_alloc : memref<!tpu.dma_semaphore, #tpu.memory_space<semaphore_mem>>
        %dma_start3A_88 = arith.constant 0 : i32
        %dma_start3A_89 = tpu.memref_slice %arg7[%add3A_56, %dma_start3A_88] : memref<125x80xi32, #tpu.memory_space<vmem>> -> memref<1x80xi32, #tpu.memory_space<vmem>>
        %dma_start3A_90 = tpu.memref_squeeze %dma_start3A_89 : memref<1x80xi32, #tpu.memory_space<vmem>> -> memref<80xi32, #tpu.memory_space<vmem>>
        %dma_start3A_91 = arith.constant 0 : i32
        %dma_start3A_92 = arith.constant 0 : i32
        %dma_start3A_93 = tpu.memref_slice %arg10[%dma_start3A_91, %dma_start3A_92] : memref<10240x128xf32, #tpu.memory_space<vmem_shared>> -> memref<10240x128xf32, #tpu.memory_space<vmem_shared>>
        tpu.enqueue_indirect_dma source(%arg8 : memref<80x128xf32, #tpu.memory_space<vmem>>) target(%dma_start3A_93 : memref<10240x128xf32, #tpu.memory_space<vmem_shared>>) offsets(%dma_start3A_90 : memref<80xi32, #tpu.memory_space<vmem>>) semaphore(%run_scoped3A_87 : memref<!tpu.dma_semaphore, #tpu.memory_space<semaphore_mem>>) {add = true}
        %dma_wait3A_94 = arith.constant 0 : i32
        %dma_wait3A_95 = tpu.memref_slice %arg7[%add3A_56, %dma_wait3A_94] : memref<125x80xi32, #tpu.memory_space<vmem>> -> memref<1x80xi32, #tpu.memory_space<vmem>>
        %dma_wait3A_96 = tpu.memref_squeeze %dma_wait3A_95 : memref<1x80xi32, #tpu.memory_space<vmem>> -> memref<80xi32, #tpu.memory_space<vmem>>
        %dma_wait3A_97 = arith.constant 0 : i32
        %dma_wait3A_98 = arith.constant 0 : i32
        %dma_wait3A_99 = tpu.memref_slice %arg10[%dma_wait3A_97, %dma_wait3A_98] : memref<10240x128xf32, #tpu.memory_space<vmem_shared>> -> memref<10240x128xf32, #tpu.memory_space<vmem_shared>>
        tpu.wait_indirect_dma semaphore(%run_scoped3A_87 : memref<!tpu.dma_semaphore, #tpu.memory_space<semaphore_mem>>) src(%arg8 : memref<80x128xf32, #tpu.memory_space<vmem>>) dst(%dma_wait3A_99 : memref<10240x128xf32, #tpu.memory_space<vmem_shared>>)
        tpu.yield
      }) : () -> ()
      %add3A_71 = arith.constant 2 : i32
      %add3A_72 = arith.addi %add3A_56, %add3A_71 : i32
      %mul3A_73 = arith.constant 80 : i32
      %mul3A_74 = arith.muli %add3A_72, %mul3A_73 : i32
      %dma_start3A_75 = tpu.memref_slice %arg6[%mul3A_74] : memref<10000xi32, #tpu.memory_space<vmem>> -> memref<80xi32, #tpu.memory_space<vmem>>
      %dma_start3A_76 = arith.constant 0 : i32
      %dma_start3A_77 = arith.constant 0 : i32
      %dma_start3A_78 = tpu.memref_slice %arg2[%dma_start3A_76, %dma_start3A_77] : memref<10000x128xf32, #tpu.memory_space<hbm>> -> memref<10000x128xf32, #tpu.memory_space<hbm>>
      tpu.enqueue_indirect_dma source(%dma_start3A_78 : memref<10000x128xf32, #tpu.memory_space<hbm>>) target(%arg8 : memref<80x128xf32, #tpu.memory_space<vmem>>) offsets(%dma_start3A_75 : memref<80xi32, #tpu.memory_space<vmem>>) semaphore(%arg11 : memref<!tpu.dma_semaphore, #tpu.memory_space<semaphore_mem>>)
      %add3A_79 = arith.constant 1 : i32
      %add3A_80 = arith.addi %add3A_56, %add3A_79 : i32
      %mul3A_81 = arith.constant 80 : i32
      %mul3A_82 = arith.muli %add3A_80, %mul3A_81 : i32
      %dma_wait3A_83 = tpu.memref_slice %arg6[%mul3A_82] : memref<10000xi32, #tpu.memory_space<vmem>> -> memref<80xi32, #tpu.memory_space<vmem>>
      %dma_wait3A_84 = arith.constant 0 : i32
      %dma_wait3A_85 = arith.constant 0 : i32
      %dma_wait3A_86 = tpu.memref_slice %arg2[%dma_wait3A_84, %dma_wait3A_85] : memref<10000x128xf32, #tpu.memory_space<hbm>> -> memref<10000x128xf32, #tpu.memory_space<hbm>>
      tpu.wait_indirect_dma semaphore(%arg12 : memref<!tpu.dma_semaphore, #tpu.memory_space<semaphore_mem>>) src(%dma_wait3A_86 : memref<10000x128xf32, #tpu.memory_space<hbm>>) dst(%arg9 : memref<80x128xf32, #tpu.memory_space<vmem>>)
      "tpu.region"() ({
        %run_scoped3A_87 = tpu.sem_alloc : memref<!tpu.dma_semaphore, #tpu.memory_space<semaphore_mem>>
        %dma_start3A_88 = arith.constant 0 : i32
        %dma_start3A_89 = tpu.memref_slice %arg7[%add3A_80, %dma_start3A_88] : memref<125x80xi32, #tpu.memory_space<vmem>> -> memref<1x80xi32, #tpu.memory_space<vmem>>
        %dma_start3A_90 = tpu.memref_squeeze %dma_start3A_89 : memref<1x80xi32, #tpu.memory_space<vmem>> -> memref<80xi32, #tpu.memory_space<vmem>>
        %dma_start3A_91 = arith.constant 0 : i32
        %dma_start3A_92 = arith.constant 0 : i32
        %dma_start3A_93 = tpu.memref_slice %arg10[%dma_start3A_91, %dma_start3A_92] : memref<10240x128xf32, #tpu.memory_space<vmem_shared>> -> memref<10240x128xf32, #tpu.memory_space<vmem_shared>>
        tpu.enqueue_indirect_dma source(%arg9 : memref<80x128xf32, #tpu.memory_space<vmem>>) target(%dma_start3A_93 : memref<10240x128xf32, #tpu.memory_space<vmem_shared>>) offsets(%dma_start3A_90 : memref<80xi32, #tpu.memory_space<vmem>>) semaphore(%run_scoped3A_87 : memref<!tpu.dma_semaphore, #tpu.memory_space<semaphore_mem>>) {add = true}
        %dma_wait3A_94 = arith.constant 0 : i32
        %dma_wait3A_95 = tpu.memref_slice %arg7[%add3A_80, %dma_wait3A_94] : memref<125x80xi32, #tpu.memory_space<vmem>> -> memref<1x80xi32, #tpu.memory_space<vmem>>
        %dma_wait3A_96 = tpu.memref_squeeze %dma_wait3A_95 : memref<1x80xi32, #tpu.memory_space<vmem>> -> memref<80xi32, #tpu.memory_space<vmem>>
        %dma_wait3A_97 = arith.constant 0 : i32
        %dma_wait3A_98 = arith.constant 0 : i32
        %dma_wait3A_99 = tpu.memref_slice %arg10[%dma_wait3A_97, %dma_wait3A_98] : memref<10240x128xf32, #tpu.memory_space<vmem_shared>> -> memref<10240x128xf32, #tpu.memory_space<vmem_shared>>
        tpu.wait_indirect_dma semaphore(%run_scoped3A_87 : memref<!tpu.dma_semaphore, #tpu.memory_space<semaphore_mem>>) src(%arg9 : memref<80x128xf32, #tpu.memory_space<vmem>>) dst(%dma_wait3A_99 : memref<10240x128xf32, #tpu.memory_space<vmem_shared>>)
        tpu.yield
      }) : () -> ()
    }
    %scan3A_42 = arith.constant 62 : i32
    %dma_wait3A_43 = arith.constant 9920 : i32
    %dma_wait3A_44 = tpu.memref_slice %arg6[%dma_wait3A_43] : memref<10000xi32, #tpu.memory_space<vmem>> -> memref<80xi32, #tpu.memory_space<vmem>>
    %dma_wait3A_45 = arith.constant 0 : i32
    %dma_wait3A_46 = arith.constant 0 : i32
    %dma_wait3A_47 = tpu.memref_slice %arg2[%dma_wait3A_45, %dma_wait3A_46] : memref<10000x128xf32, #tpu.memory_space<hbm>> -> memref<10000x128xf32, #tpu.memory_space<hbm>>
    tpu.wait_indirect_dma semaphore(%arg11 : memref<!tpu.dma_semaphore, #tpu.memory_space<semaphore_mem>>) src(%dma_wait3A_47 : memref<10000x128xf32, #tpu.memory_space<hbm>>) dst(%arg8 : memref<80x128xf32, #tpu.memory_space<vmem>>)
    %run_scoped3A = arith.constant 124 : i32
    "tpu.region"() ({
      %run_scoped3A_52 = tpu.sem_alloc : memref<!tpu.dma_semaphore, #tpu.memory_space<semaphore_mem>>
      %dma_start3A_53 = arith.constant 0 : i32
      %dma_start3A_54 = tpu.memref_slice %arg7[%run_scoped3A, %dma_start3A_53] : memref<125x80xi32, #tpu.memory_space<vmem>> -> memref<1x80xi32, #tpu.memory_space<vmem>>
      %dma_start3A_55 = tpu.memref_squeeze %dma_start3A_54 : memref<1x80xi32, #tpu.memory_space<vmem>> -> memref<80xi32, #tpu.memory_space<vmem>>
      %dma_start3A_56 = arith.constant 0 : i32
      %dma_start3A_57 = arith.constant 0 : i32
      %dma_start3A_58 = tpu.memref_slice %arg10[%dma_start3A_56, %dma_start3A_57] : memref<10240x128xf32, #tpu.memory_space<vmem_shared>> -> memref<10240x128xf32, #tpu.memory_space<vmem_shared>>
      tpu.enqueue_indirect_dma source(%arg8 : memref<80x128xf32, #tpu.memory_space<vmem>>) target(%dma_start3A_58 : memref<10240x128xf32, #tpu.memory_space<vmem_shared>>) offsets(%dma_start3A_55 : memref<80xi32, #tpu.memory_space<vmem>>) semaphore(%run_scoped3A_52 : memref<!tpu.dma_semaphore, #tpu.memory_space<semaphore_mem>>) {add = true}
      %dma_wait3A_59 = arith.constant 0 : i32
      %dma_wait3A_60 = tpu.memref_slice %arg7[%run_scoped3A, %dma_wait3A_59] : memref<125x80xi32, #tpu.memory_space<vmem>> -> memref<1x80xi32, #tpu.memory_space<vmem>>
      %dma_wait3A_61 = tpu.memref_squeeze %dma_wait3A_60 : memref<1x80xi32, #tpu.memory_space<vmem>> -> memref<80xi32, #tpu.memory_space<vmem>>
      %dma_wait3A_62 = arith.constant 0 : i32
      %dma_wait3A_63 = arith.constant 0 : i32
      %dma_wait3A_64 = tpu.memref_slice %arg10[%dma_wait3A_62, %dma_wait3A_63] : memref<10240x128xf32, #tpu.memory_space<vmem_shared>> -> memref<10240x128xf32, #tpu.memory_space<vmem_shared>>
      tpu.wait_indirect_dma semaphore(%run_scoped3A_52 : memref<!tpu.dma_semaphore, #tpu.memory_space<semaphore_mem>>) src(%arg8 : memref<80x128xf32, #tpu.memory_space<vmem>>) dst(%dma_wait3A_64 : memref<10240x128xf32, #tpu.memory_space<vmem_shared>>)
      tpu.yield
    }) : () -> ()
    %barrier3A_48 = arith.constant 0 : index
    tpu.barrier barrier_id(%barrier3A_48)
    %mul3A_49 = arith.constant 10240 : i32
    %mul3A_50 = arith.muli %arg0, %mul3A_49 : i32
    %add3A_51 = arith.addi %mul3A_50, %mul3A_2 : i32
    "tpu.region"() ({
      %run_scoped3A_52 = tpu.sem_alloc : memref<!tpu.dma_semaphore, #tpu.memory_space<semaphore_mem>>
      %dma_start3A_53 = arith.constant 0 : i32
      %dma_start3A_54 = tpu.memref_slice %arg5[%add3A_51, %dma_start3A_53] : memref<20480x128xf32, #tpu.memory_space<hbm>> -> memref<640x128xf32, #tpu.memory_space<hbm>>
      %dma_start3A_55 = arith.constant 0 : i32
      %dma_start3A_56 = tpu.memref_slice %arg10[%mul3A_2, %dma_start3A_55] : memref<10240x128xf32, #tpu.memory_space<vmem_shared>> -> memref<640x128xf32, #tpu.memory_space<vmem_shared>>
      tpu.enqueue_dma source(%dma_start3A_56 : memref<640x128xf32, #tpu.memory_space<vmem_shared>>) target(%dma_start3A_54 : memref<640x128xf32, #tpu.memory_space<hbm>>) target_semaphore(%run_scoped3A_52 : memref<!tpu.dma_semaphore, #tpu.memory_space<semaphore_mem>>)
      %dma_wait3A_57 = arith.constant 0 : i32
      %dma_wait3A_58 = tpu.memref_slice %arg5[%add3A_51, %dma_wait3A_57] : memref<20480x128xf32, #tpu.memory_space<hbm>> -> memref<640x128xf32, #tpu.memory_space<hbm>>
      %dma_wait3A_59 = arith.constant 0 : i32
      %dma_wait3A_60 = tpu.memref_slice %arg10[%mul3A_2, %dma_wait3A_59] : memref<10240x128xf32, #tpu.memory_space<vmem_shared>> -> memref<640x128xf32, #tpu.memory_space<vmem_shared>>
      tpu.wait_dma2 semaphore(%run_scoped3A_52 : memref<!tpu.dma_semaphore, #tpu.memory_space<semaphore_mem>>) src(%dma_wait3A_60 : memref<640x128xf32, #tpu.memory_space<vmem_shared>>) dst(%dma_wait3A_58 : memref<640x128xf32, #tpu.memory_space<hbm>>)
      tpu.yield
    }) : () -> ()
    return
  }
}

#map = affine_map<(d0, d1) -> (0, 0)>
#map1 = affine_map<(d0, d1) -> (0)>
#map2 = affine_map<(d0, d1) -> (0, 0, 0)>
module attributes {stable_mosaic.version = 14 : i64} {
  func.func @agg(%arg0: i32, %arg1: i32, %arg2: memref<10000x128xf32, #tpu.memory_space<hbm>>, %arg3: memref<320000xi32, #tpu.memory_space<hbm>>, %arg4: memref<32x125x80xi32, #tpu.memory_space<hbm>>, %arg5: memref<20480x128xf32, #tpu.memory_space<hbm>>, %arg6: memref<10000xi32, #tpu.memory_space<vmem>>, %arg7: memref<125x80xi32, #tpu.memory_space<vmem>>, %arg8: memref<80x128xf32, #tpu.memory_space<vmem>>, %arg9: memref<80x128xf32, #tpu.memory_space<vmem>>, %arg10: memref<10240x128xf32, #tpu.memory_space<vmem_shared>>, %arg11: memref<!tpu.dma_semaphore, #tpu.memory_space<semaphore_mem>>, %arg12: memref<!tpu.dma_semaphore, #tpu.memory_space<semaphore_mem>>) attributes {dimension_semantics = [#tpu.dimension_semantics<core_parallel>, #tpu.dimension_semantics<subcore_parallel>], iteration_bounds = array<i64: 2, 16>, scalar_prefetch = 0 : i64, scratch_operands = 7 : i64, tpu.core_type = #tpu.core_type<sc_vector_subcore>, window_params = [{transform_indices = #map}, {transform_indices = #map1}, {transform_indices = #map2}, {transform_indices = #map}]} {
    %mul3A = arith.constant 2 : i32
    %mul3A_0 = arith.muli %arg1, %mul3A : i32
    %add3A = arith.addi %mul3A_0, %arg0 : i32
    %mul3A_1 = arith.constant 640 : i32
    %mul3A_2 = arith.muli %arg1, %mul3A_1 : i32
    %broadcast_in_dim3A = arith.constant 0.000000e+00 : f32
    %broadcast_in_dim3A_3 = vector.broadcast %broadcast_in_dim3A : f32 to vector<16xf32>
    %mul3A_4 = arith.constant 10000 : i32
    %mul3A_5 = arith.muli %add3A, %mul3A_4 : i32
    %dma_start3A = tpu.memref_slice %arg3[%mul3A_5] : memref<320000xi32, #tpu.memory_space<hbm>> -> memref<10000xi32, #tpu.memory_space<hbm>>
    %dma_start3A_6 = tpu.memref_slice %arg3[%mul3A_5] : memref<320000xi32, #tpu.memory_space<hbm>> -> memref<10000xi32, #tpu.memory_space<hbm>>
    tpu.enqueue_dma source(%dma_start3A_6 : memref<10000xi32, #tpu.memory_space<hbm>>) target(%arg6 : memref<10000xi32, #tpu.memory_space<vmem>>) target_semaphore(%arg11 : memref<!tpu.dma_semaphore, #tpu.memory_space<semaphore_mem>>)
    %dma_start3A_7 = arith.constant 0 : i32
    %dma_start3A_8 = arith.constant 0 : i32
    %dma_start3A_9 = tpu.memref_slice %arg4[%add3A, %dma_start3A_7, %dma_start3A_8] : memref<32x125x80xi32, #tpu.memory_space<hbm>> -> memref<1x125x80xi32, #tpu.memory_space<hbm>>
    %dma_start3A_10 = tpu.memref_squeeze %dma_start3A_9 : memref<1x125x80xi32, #tpu.memory_space<hbm>> -> memref<125x80xi32, #tpu.memory_space<hbm>>
    %dma_start3A_11 = arith.constant 0 : i32
    %dma_start3A_12 = arith.constant 0 : i32
    %dma_start3A_13 = tpu.memref_slice %arg4[%add3A, %dma_start3A_11, %dma_start3A_12] : memref<32x125x80xi32, #tpu.memory_space<hbm>> -> memref<1x125x80xi32, #tpu.memory_space<hbm>>
    %dma_start3A_14 = tpu.memref_squeeze %dma_start3A_13 : memref<1x125x80xi32, #tpu.memory_space<hbm>> -> memref<125x80xi32, #tpu.memory_space<hbm>>
    tpu.enqueue_dma source(%dma_start3A_14 : memref<125x80xi32, #tpu.memory_space<hbm>>) target(%arg7 : memref<125x80xi32, #tpu.memory_space<vmem>>) target_semaphore(%arg12 : memref<!tpu.dma_semaphore, #tpu.memory_space<semaphore_mem>>)
    %scan3A = arith.constant 0 : i32
    %scan3A_15 = arith.constant 80 : i32
    %scan3A_16 = arith.addi %scan3A, %scan3A_15 : i32
    %scan3A_17 = arith.constant 1 : i32
    scf.for %scan3A_52 = %scan3A to %scan3A_16 step %scan3A_17  : i32 {
      %mul3A_53 = arith.constant 1 : i32
      %mul3A_54 = arith.muli %scan3A_52, %mul3A_53 : i32
      %add3A_55 = arith.constant 0 : i32
      %add3A_56 = arith.addi %add3A_55, %mul3A_54 : i32
      %scan3A_57 = arith.constant 0 : i32
      %scan3A_58 = arith.constant 8 : i32
      %scan3A_59 = arith.addi %scan3A_57, %scan3A_58 : i32
      %scan3A_60 = arith.constant 1 : i32
      scf.for %scan3A_62 = %scan3A_57 to %scan3A_59 step %scan3A_60  : i32 {
        %mul3A_63 = arith.constant 16 : i32
        %mul3A_64 = arith.muli %scan3A_62, %mul3A_63 : i32
        %add3A_65 = arith.constant 0 : i32
        %add3A_66 = arith.addi %add3A_65, %mul3A_64 : i32
        %swap3A = arith.index_cast %add3A_56 : i32 to index
        %swap3A_67 = arith.index_cast %add3A_66 : i32 to index
        %swap3A_68 = tpu.vector_load %arg8[%swap3A, %swap3A_67] {strides = array<i32>} : memref<80x128xf32, #tpu.memory_space<vmem>>, vector<1x16xf32>,
        %swap3A_69 = vector.shape_cast %swap3A_68 : vector<1x16xf32> to vector<16xf32>
        %swap3A_70 = vector.shape_cast %broadcast_in_dim3A_3 : vector<16xf32> to vector<1x16xf32>
        tpu.vector_store %arg8[%swap3A, %swap3A_67], %swap3A_70 {strides = array<i32>} : memref<80x128xf32, #tpu.memory_space<vmem>>, vector<1x16xf32>,
      }
      %scan3A_61 = arith.constant 8 : i32
    }
    %scan3A_18 = arith.constant 80 : i32
    %scan3A_19 = arith.constant 0 : i32
    %scan3A_20 = arith.constant 8 : i32
    %scan3A_21 = arith.addi %scan3A_19, %scan3A_20 : i32
    %scan3A_22 = arith.constant 1 : i32
    scf.for %scan3A_52 = %scan3A_19 to %scan3A_21 step %scan3A_22  : i32 {
      %mul3A_53 = arith.constant 80 : i32
      %mul3A_54 = arith.muli %scan3A_52, %mul3A_53 : i32
      %add3A_55 = arith.constant 0 : i32
      %add3A_56 = arith.addi %add3A_55, %mul3A_54 : i32
      %add3A_57 = arith.addi %mul3A_2, %add3A_56 : i32
      "tpu.region"() ({
        %run_scoped3A_58 = tpu.sem_alloc : memref<!tpu.dma_semaphore, #tpu.memory_space<semaphore_mem>>
        %dma_start3A_59 = arith.constant 0 : i32
        %dma_start3A_60 = tpu.memref_slice %arg10[%add3A_57, %dma_start3A_59] : memref<10240x128xf32, #tpu.memory_space<vmem_shared>> -> memref<80x128xf32, #tpu.memory_space<vmem_shared>>
        %dma_start3A_61 = arith.constant 0 : i32
        %dma_start3A_62 = tpu.memref_slice %arg10[%add3A_57, %dma_start3A_61] : memref<10240x128xf32, #tpu.memory_space<vmem_shared>> -> memref<80x128xf32, #tpu.memory_space<vmem_shared>>
        tpu.enqueue_dma source(%arg8 : memref<80x128xf32, #tpu.memory_space<vmem>>) target(%dma_start3A_62 : memref<80x128xf32, #tpu.memory_space<vmem_shared>>) target_semaphore(%run_scoped3A_58 : memref<!tpu.dma_semaphore, #tpu.memory_space<semaphore_mem>>)
        %dma_wait3A_63 = arith.constant 0 : i32
        %dma_wait3A_64 = tpu.memref_slice %arg10[%add3A_57, %dma_wait3A_63] : memref<10240x128xf32, #tpu.memory_space<vmem_shared>> -> memref<80x128xf32, #tpu.memory_space<vmem_shared>>
        %dma_wait3A_65 = arith.constant 0 : i32
        %dma_wait3A_66 = tpu.memref_slice %arg10[%add3A_57, %dma_wait3A_65] : memref<10240x128xf32, #tpu.memory_space<vmem_shared>> -> memref<80x128xf32, #tpu.memory_space<vmem_shared>>
        tpu.wait_dma2 semaphore(%run_scoped3A_58 : memref<!tpu.dma_semaphore, #tpu.memory_space<semaphore_mem>>) src(%arg8 : memref<80x128xf32, #tpu.memory_space<vmem>>) dst(%dma_wait3A_66 : memref<80x128xf32, #tpu.memory_space<vmem_shared>>)
        tpu.yield
      }) : () -> ()
    }
    %scan3A_23 = arith.constant 8 : i32
    %dma_wait3A = tpu.memref_slice %arg3[%mul3A_5] : memref<320000xi32, #tpu.memory_space<hbm>> -> memref<10000xi32, #tpu.memory_space<hbm>>
    %dma_wait3A_24 = tpu.memref_slice %arg3[%mul3A_5] : memref<320000xi32, #tpu.memory_space<hbm>> -> memref<10000xi32, #tpu.memory_space<hbm>>
    tpu.wait_dma2 semaphore(%arg11 : memref<!tpu.dma_semaphore, #tpu.memory_space<semaphore_mem>>) src(%dma_wait3A_24 : memref<10000xi32, #tpu.memory_space<hbm>>) dst(%arg6 : memref<10000xi32, #tpu.memory_space<vmem>>)
    %dma_wait3A_25 = arith.constant 0 : i32
    %dma_wait3A_26 = arith.constant 0 : i32
    %dma_wait3A_27 = tpu.memref_slice %arg4[%add3A, %dma_wait3A_25, %dma_wait3A_26] : memref<32x125x80xi32, #tpu.memory_space<hbm>> -> memref<1x125x80xi32, #tpu.memory_space<hbm>>
    %dma_wait3A_28 = tpu.memref_squeeze %dma_wait3A_27 : memref<1x125x80xi32, #tpu.memory_space<hbm>> -> memref<125x80xi32, #tpu.memory_space<hbm>>
    %dma_wait3A_29 = arith.constant 0 : i32
    %dma_wait3A_30 = arith.constant 0 : i32
    %dma_wait3A_31 = tpu.memref_slice %arg4[%add3A, %dma_wait3A_29, %dma_wait3A_30] : memref<32x125x80xi32, #tpu.memory_space<hbm>> -> memref<1x125x80xi32, #tpu.memory_space<hbm>>
    %dma_wait3A_32 = tpu.memref_squeeze %dma_wait3A_31 : memref<1x125x80xi32, #tpu.memory_space<hbm>> -> memref<125x80xi32, #tpu.memory_space<hbm>>
    tpu.wait_dma2 semaphore(%arg12 : memref<!tpu.dma_semaphore, #tpu.memory_space<semaphore_mem>>) src(%dma_wait3A_32 : memref<125x80xi32, #tpu.memory_space<hbm>>) dst(%arg7 : memref<125x80xi32, #tpu.memory_space<vmem>>)
    %barrier3A = arith.constant 0 : index
    tpu.barrier barrier_id(%barrier3A)
    %dma_start3A_33 = arith.constant 0 : i32
    %dma_start3A_34 = tpu.memref_slice %arg6[%dma_start3A_33] : memref<10000xi32, #tpu.memory_space<vmem>> -> memref<80xi32, #tpu.memory_space<vmem>>
    %dma_start3A_35 = arith.constant 0 : i32
    %dma_start3A_36 = arith.constant 0 : i32
    %dma_start3A_37 = tpu.memref_slice %arg2[%dma_start3A_35, %dma_start3A_36] : memref<10000x128xf32, #tpu.memory_space<hbm>> -> memref<10000x128xf32, #tpu.memory_space<hbm>>
    tpu.enqueue_indirect_dma source(%dma_start3A_37 : memref<10000x128xf32, #tpu.memory_space<hbm>>) target(%arg8 : memref<80x128xf32, #tpu.memory_space<vmem>>) offsets(%dma_start3A_34 : memref<80xi32, #tpu.memory_space<vmem>>) semaphore(%arg11 : memref<!tpu.dma_semaphore, #tpu.memory_space<semaphore_mem>>)
    %scan3A_38 = arith.constant 0 : i32
    %scan3A_39 = arith.constant 62 : i32
    %scan3A_40 = arith.addi %scan3A_38, %scan3A_39 : i32
    %scan3A_41 = arith.constant 1 : i32
    scf.for %scan3A_52 = %scan3A_38 to %scan3A_40 step %scan3A_41  : i32 {
      %mul3A_53 = arith.constant 2 : i32
      %mul3A_54 = arith.muli %scan3A_52, %mul3A_53 : i32
      %add3A_55 = arith.constant 0 : i32
      %add3A_56 = arith.addi %add3A_55, %mul3A_54 : i32
      %add3A_57 = arith.constant 1 : i32
      %add3A_58 = arith.addi %add3A_56, %add3A_57 : i32
      %mul3A_59 = arith.constant 80 : i32
      %mul3A_60 = arith.muli %add3A_58, %mul3A_59 : i32
      %dma_start3A_61 = tpu.memref_slice %arg6[%mul3A_60] : memref<10000xi32, #tpu.memory_space<vmem>> -> memref<80xi32, #tpu.memory_space<vmem>>
      %dma_start3A_62 = arith.constant 0 : i32
      %dma_start3A_63 = arith.constant 0 : i32
      %dma_start3A_64 = tpu.memref_slice %arg2[%dma_start3A_62, %dma_start3A_63] : memref<10000x128xf32, #tpu.memory_space<hbm>> -> memref<10000x128xf32, #tpu.memory_space<hbm>>
      tpu.enqueue_indirect_dma source(%dma_start3A_64 : memref<10000x128xf32, #tpu.memory_space<hbm>>) target(%arg9 : memref<80x128xf32, #tpu.memory_space<vmem>>) offsets(%dma_start3A_61 : memref<80xi32, #tpu.memory_space<vmem>>) semaphore(%arg12 : memref<!tpu.dma_semaphore, #tpu.memory_space<semaphore_mem>>)
      %mul3A_65 = arith.constant 80 : i32
      %mul3A_66 = arith.muli %add3A_56, %mul3A_65 : i32
      %dma_wait3A_67 = tpu.memref_slice %arg6[%mul3A_66] : memref<10000xi32, #tpu.memory_space<vmem>> -> memref<80xi32, #tpu.memory_space<vmem>>
      %dma_wait3A_68 = arith.constant 0 : i32
      %dma_wait3A_69 = arith.constant 0 : i32
      %dma_wait3A_70 = tpu.memref_slice %arg2[%dma_wait3A_68, %dma_wait3A_69] : memref<10000x128xf32, #tpu.memory_space<hbm>> -> memref<10000x128xf32, #tpu.memory_space<hbm>>
      tpu.wait_indirect_dma semaphore(%arg11 : memref<!tpu.dma_semaphore, #tpu.memory_space<semaphore_mem>>) src(%dma_wait3A_70 : memref<10000x128xf32, #tpu.memory_space<hbm>>) dst(%arg8 : memref<80x128xf32, #tpu.memory_space<vmem>>)
      "tpu.region"() ({
        %run_scoped3A_87 = tpu.sem_alloc : memref<!tpu.dma_semaphore, #tpu.memory_space<semaphore_mem>>
        %dma_start3A_88 = arith.constant 0 : i32
        %dma_start3A_89 = tpu.memref_slice %arg7[%add3A_56, %dma_start3A_88] : memref<125x80xi32, #tpu.memory_space<vmem>> -> memref<1x80xi32, #tpu.memory_space<vmem>>
        %dma_start3A_90 = tpu.memref_squeeze %dma_start3A_89 : memref<1x80xi32, #tpu.memory_space<vmem>> -> memref<80xi32, #tpu.memory_space<vmem>>
        %dma_start3A_91 = arith.constant 0 : i32
        %dma_start3A_92 = arith.constant 0 : i32
        %dma_start3A_93 = tpu.memref_slice %arg10[%dma_start3A_91, %dma_start3A_92] : memref<10240x128xf32, #tpu.memory_space<vmem_shared>> -> memref<10240x128xf32, #tpu.memory_space<vmem_shared>>
        tpu.enqueue_indirect_dma source(%arg8 : memref<80x128xf32, #tpu.memory_space<vmem>>) target(%dma_start3A_93 : memref<10240x128xf32, #tpu.memory_space<vmem_shared>>) offsets(%dma_start3A_90 : memref<80xi32, #tpu.memory_space<vmem>>) semaphore(%run_scoped3A_87 : memref<!tpu.dma_semaphore, #tpu.memory_space<semaphore_mem>>) {add = true}
        %dma_wait3A_94 = arith.constant 0 : i32
        %dma_wait3A_95 = tpu.memref_slice %arg7[%add3A_56, %dma_wait3A_94] : memref<125x80xi32, #tpu.memory_space<vmem>> -> memref<1x80xi32, #tpu.memory_space<vmem>>
        %dma_wait3A_96 = tpu.memref_squeeze %dma_wait3A_95 : memref<1x80xi32, #tpu.memory_space<vmem>> -> memref<80xi32, #tpu.memory_space<vmem>>
        %dma_wait3A_97 = arith.constant 0 : i32
        %dma_wait3A_98 = arith.constant 0 : i32
        %dma_wait3A_99 = tpu.memref_slice %arg10[%dma_wait3A_97, %dma_wait3A_98] : memref<10240x128xf32, #tpu.memory_space<vmem_shared>> -> memref<10240x128xf32, #tpu.memory_space<vmem_shared>>
        tpu.wait_indirect_dma semaphore(%run_scoped3A_87 : memref<!tpu.dma_semaphore, #tpu.memory_space<semaphore_mem>>) src(%arg8 : memref<80x128xf32, #tpu.memory_space<vmem>>) dst(%dma_wait3A_99 : memref<10240x128xf32, #tpu.memory_space<vmem_shared>>)
        tpu.yield
      }) : () -> ()
      %add3A_71 = arith.constant 2 : i32
      %add3A_72 = arith.addi %add3A_56, %add3A_71 : i32
      %mul3A_73 = arith.constant 80 : i32
      %mul3A_74 = arith.muli %add3A_72, %mul3A_73 : i32
      %dma_start3A_75 = tpu.memref_slice %arg6[%mul3A_74] : memref<10000xi32, #tpu.memory_space<vmem>> -> memref<80xi32, #tpu.memory_space<vmem>>
      %dma_start3A_76 = arith.constant 0 : i32
      %dma_start3A_77 = arith.constant 0 : i32
      %dma_start3A_78 = tpu.memref_slice %arg2[%dma_start3A_76, %dma_start3A_77] : memref<10000x128xf32, #tpu.memory_space<hbm>> -> memref<10000x128xf32, #tpu.memory_space<hbm>>
      tpu.enqueue_indirect_dma source(%dma_start3A_78 : memref<10000x128xf32, #tpu.memory_space<hbm>>) target(%arg8 : memref<80x128xf32, #tpu.memory_space<vmem>>) offsets(%dma_start3A_75 : memref<80xi32, #tpu.memory_space<vmem>>) semaphore(%arg11 : memref<!tpu.dma_semaphore, #tpu.memory_space<semaphore_mem>>)
      %add3A_79 = arith.constant 1 : i32
      %add3A_80 = arith.addi %add3A_56, %add3A_79 : i32
      %mul3A_81 = arith.constant 80 : i32
      %mul3A_82 = arith.muli %add3A_80, %mul3A_81 : i32
      %dma_wait3A_83 = tpu.memref_slice %arg6[%mul3A_82] : memref<10000xi32, #tpu.memory_space<vmem>> -> memref<80xi32, #tpu.memory_space<vmem>>
      %dma_wait3A_84 = arith.constant 0 : i32
      %dma_wait3A_85 = arith.constant 0 : i32
      %dma_wait3A_86 = tpu.memref_slice %arg2[%dma_wait3A_84, %dma_wait3A_85] : memref<10000x128xf32, #tpu.memory_space<hbm>> -> memref<10000x128xf32, #tpu.memory_space<hbm>>
      tpu.wait_indirect_dma semaphore(%arg12 : memref<!tpu.dma_semaphore, #tpu.memory_space<semaphore_mem>>) src(%dma_wait3A_86 : memref<10000x128xf32, #tpu.memory_space<hbm>>) dst(%arg9 : memref<80x128xf32, #tpu.memory_space<vmem>>)
      "tpu.region"() ({
        %run_scoped3A_87 = tpu.sem_alloc : memref<!tpu.dma_semaphore, #tpu.memory_space<semaphore_mem>>
        %dma_start3A_88 = arith.constant 0 : i32
        %dma_start3A_89 = tpu.memref_slice %arg7[%add3A_80, %dma_start3A_88] : memref<125x80xi32, #tpu.memory_space<vmem>> -> memref<1x80xi32, #tpu.memory_space<vmem>>
        %dma_start3A_90 = tpu.memref_squeeze %dma_start3A_89 : memref<1x80xi32, #tpu.memory_space<vmem>> -> memref<80xi32, #tpu.memory_space<vmem>>
        %dma_start3A_91 = arith.constant 0 : i32
        %dma_start3A_92 = arith.constant 0 : i32
        %dma_start3A_93 = tpu.memref_slice %arg10[%dma_start3A_91, %dma_start3A_92] : memref<10240x128xf32, #tpu.memory_space<vmem_shared>> -> memref<10240x128xf32, #tpu.memory_space<vmem_shared>>
        tpu.enqueue_indirect_dma source(%arg9 : memref<80x128xf32, #tpu.memory_space<vmem>>) target(%dma_start3A_93 : memref<10240x128xf32, #tpu.memory_space<vmem_shared>>) offsets(%dma_start3A_90 : memref<80xi32, #tpu.memory_space<vmem>>) semaphore(%run_scoped3A_87 : memref<!tpu.dma_semaphore, #tpu.memory_space<semaphore_mem>>) {add = true}
        %dma_wait3A_94 = arith.constant 0 : i32
        %dma_wait3A_95 = tpu.memref_slice %arg7[%add3A_80, %dma_wait3A_94] : memref<125x80xi32, #tpu.memory_space<vmem>> -> memref<1x80xi32, #tpu.memory_space<vmem>>
        %dma_wait3A_96 = tpu.memref_squeeze %dma_wait3A_95 : memref<1x80xi32, #tpu.memory_space<vmem>> -> memref<80xi32, #tpu.memory_space<vmem>>
        %dma_wait3A_97 = arith.constant 0 : i32
        %dma_wait3A_98 = arith.constant 0 : i32
        %dma_wait3A_99 = tpu.memref_slice %arg10[%dma_wait3A_97, %dma_wait3A_98] : memref<10240x128xf32, #tpu.memory_space<vmem_shared>> -> memref<10240x128xf32, #tpu.memory_space<vmem_shared>>
        tpu.wait_indirect_dma semaphore(%run_scoped3A_87 : memref<!tpu.dma_semaphore, #tpu.memory_space<semaphore_mem>>) src(%arg9 : memref<80x128xf32, #tpu.memory_space<vmem>>) dst(%dma_wait3A_99 : memref<10240x128xf32, #tpu.memory_space<vmem_shared>>)
        tpu.yield
      }) : () -> ()
    }
    %scan3A_42 = arith.constant 62 : i32
    %dma_wait3A_43 = arith.constant 9920 : i32
    %dma_wait3A_44 = tpu.memref_slice %arg6[%dma_wait3A_43] : memref<10000xi32, #tpu.memory_space<vmem>> -> memref<80xi32, #tpu.memory_space<vmem>>
    %dma_wait3A_45 = arith.constant 0 : i32
    %dma_wait3A_46 = arith.constant 0 : i32
    %dma_wait3A_47 = tpu.memref_slice %arg2[%dma_wait3A_45, %dma_wait3A_46] : memref<10000x128xf32, #tpu.memory_space<hbm>> -> memref<10000x128xf32, #tpu.memory_space<hbm>>
    tpu.wait_indirect_dma semaphore(%arg11 : memref<!tpu.dma_semaphore, #tpu.memory_space<semaphore_mem>>) src(%dma_wait3A_47 : memref<10000x128xf32, #tpu.memory_space<hbm>>) dst(%arg8 : memref<80x128xf32, #tpu.memory_space<vmem>>)
    %run_scoped3A = arith.constant 124 : i32
    "tpu.region"() ({
      %run_scoped3A_52 = tpu.sem_alloc : memref<!tpu.dma_semaphore, #tpu.memory_space<semaphore_mem>>
      %dma_start3A_53 = arith.constant 0 : i32
      %dma_start3A_54 = tpu.memref_slice %arg7[%run_scoped3A, %dma_start3A_53] : memref<125x80xi32, #tpu.memory_space<vmem>> -> memref<1x80xi32, #tpu.memory_space<vmem>>
      %dma_start3A_55 = tpu.memref_squeeze %dma_start3A_54 : memref<1x80xi32, #tpu.memory_space<vmem>> -> memref<80xi32, #tpu.memory_space<vmem>>
      %dma_start3A_56 = arith.constant 0 : i32
      %dma_start3A_57 = arith.constant 0 : i32
      %dma_start3A_58 = tpu.memref_slice %arg10[%dma_start3A_56, %dma_start3A_57] : memref<10240x128xf32, #tpu.memory_space<vmem_shared>> -> memref<10240x128xf32, #tpu.memory_space<vmem_shared>>
      tpu.enqueue_indirect_dma source(%arg8 : memref<80x128xf32, #tpu.memory_space<vmem>>) target(%dma_start3A_58 : memref<10240x128xf32, #tpu.memory_space<vmem_shared>>) offsets(%dma_start3A_55 : memref<80xi32, #tpu.memory_space<vmem>>) semaphore(%run_scoped3A_52 : memref<!tpu.dma_semaphore, #tpu.memory_space<semaphore_mem>>) {add = true}
      %dma_wait3A_59 = arith.constant 0 : i32
      %dma_wait3A_60 = tpu.memref_slice %arg7[%run_scoped3A, %dma_wait3A_59] : memref<125x80xi32, #tpu.memory_space<vmem>> -> memref<1x80xi32, #tpu.memory_space<vmem>>
      %dma_wait3A_61 = tpu.memref_squeeze %dma_wait3A_60 : memref<1x80xi32, #tpu.memory_space<vmem>> -> memref<80xi32, #tpu.memory_space<vmem>>
      %dma_wait3A_62 = arith.constant 0 : i32
      %dma_wait3A_63 = arith.constant 0 : i32
      %dma_wait3A_64 = tpu.memref_slice %arg10[%dma_wait3A_62, %dma_wait3A_63] : memref<10240x128xf32, #tpu.memory_space<vmem_shared>> -> memref<10240x128xf32, #tpu.memory_space<vmem_shared>>
      tpu.wait_indirect_dma semaphore(%run_scoped3A_52 : memref<!tpu.dma_semaphore, #tpu.memory_space<semaphore_mem>>) src(%arg8 : memref<80x128xf32, #tpu.memory_space<vmem>>) dst(%dma_wait3A_64 : memref<10240x128xf32, #tpu.memory_space<vmem_shared>>)
      tpu.yield
    }) : () -> ()
    %barrier3A_48 = arith.constant 0 : index
    tpu.barrier barrier_id(%barrier3A_48)
    %mul3A_49 = arith.constant 10240 : i32
    %mul3A_50 = arith.muli %arg0, %mul3A_49 : i32
    %add3A_51 = arith.addi %mul3A_50, %mul3A_2 : i32
    "tpu.region"() ({
      %run_scoped3A_52 = tpu.sem_alloc : memref<!tpu.dma_semaphore, #tpu.memory_space<semaphore_mem>>
      %dma_start3A_53 = arith.constant 0 : i32
      %dma_start3A_54 = tpu.memref_slice %arg5[%add3A_51, %dma_start3A_53] : memref<20480x128xf32, #tpu.memory_space<hbm>> -> memref<640x128xf32, #tpu.memory_space<hbm>>
      %dma_start3A_55 = arith.constant 0 : i32
      %dma_start3A_56 = tpu.memref_slice %arg10[%mul3A_2, %dma_start3A_55] : memref<10240x128xf32, #tpu.memory_space<vmem_shared>> -> memref<640x128xf32, #tpu.memory_space<vmem_shared>>
      tpu.enqueue_dma source(%dma_start3A_56 : memref<640x128xf32, #tpu.memory_space<vmem_shared>>) target(%dma_start3A_54 : memref<640x128xf32, #tpu.memory_space<hbm>>) target_semaphore(%run_scoped3A_52 : memref<!tpu.dma_semaphore, #tpu.memory_space<semaphore_mem>>)
      %dma_wait3A_57 = arith.constant 0 : i32
      %dma_wait3A_58 = tpu.memref_slice %arg5[%add3A_51, %dma_wait3A_57] : memref<20480x128xf32, #tpu.memory_space<hbm>> -> memref<640x128xf32, #tpu.memory_space<hbm>>
      %dma_wait3A_59 = arith.constant 0 : i32
      %dma_wait3A_60 = tpu.memref_slice %arg10[%mul3A_2, %dma_wait3A_59] : memref<10240x128xf32, #tpu.memory_space<vmem_shared>> -> memref<640x128xf32, #tpu.memory_space<vmem_shared>>
      tpu.wait_dma2 semaphore(%run_scoped3A_52 : memref<!tpu.dma_semaphore, #tpu.memory_space<semaphore_mem>>) src(%dma_wait3A_60 : memref<640x128xf32, #tpu.memory_space<vmem_shared>>) dst(%dma_wait3A_58 : memref<640x128xf32, #tpu.memory_space<hbm>>)
      tpu.yield
    }) : () -> ()
    return
  }
}

#map = affine_map<(d0, d1) -> (0)>
module attributes {stable_mosaic.version = 14 : i64} {
  func.func @cntk(%arg0: i32, %arg1: i32, %arg2: memref<320000xi32, #tpu.memory_space<hbm>>, %arg3: memref<327680xf32, #tpu.memory_space<hbm>>, %arg4: memref<10000xi32, #tpu.memory_space<vmem>>, %arg5: memref<10240xf32, #tpu.memory_space<vmem>>) attributes {dimension_semantics = [#tpu.dimension_semantics<core_parallel>, #tpu.dimension_semantics<subcore_parallel>], iteration_bounds = array<i64: 2, 16>, scalar_prefetch = 0 : i64, scratch_operands = 2 : i64, tpu.core_type = #tpu.core_type<sc_vector_subcore>, window_params = [{transform_indices = #map}, {transform_indices = #map}]} {
    %mul3A = arith.constant 2 : i32
    %mul3A_0 = arith.muli %arg1, %mul3A : i32
    %add3A = arith.addi %mul3A_0, %arg0 : i32
    %broadcast_in_dim3A = arith.constant 0.000000e+00 : f32
    %broadcast_in_dim3A_1 = vector.broadcast %broadcast_in_dim3A : f32 to vector<16xf32>
    %broadcast_in_dim3A_2 = arith.constant 1.000000e+00 : f32
    %broadcast_in_dim3A_3 = vector.broadcast %broadcast_in_dim3A_2 : f32 to vector<16xf32>
    %mul3A_4 = arith.constant 10000 : i32
    %mul3A_5 = arith.muli %add3A, %mul3A_4 : i32
    "tpu.region"() ({
      %run_scoped3A = tpu.sem_alloc : memref<!tpu.dma_semaphore, #tpu.memory_space<semaphore_mem>>
      %dma_start3A = tpu.memref_slice %arg2[%mul3A_5] : memref<320000xi32, #tpu.memory_space<hbm>> -> memref<10000xi32, #tpu.memory_space<hbm>>
      %dma_start3A_17 = tpu.memref_slice %arg2[%mul3A_5] : memref<320000xi32, #tpu.memory_space<hbm>> -> memref<10000xi32, #tpu.memory_space<hbm>>
      tpu.enqueue_dma source(%dma_start3A_17 : memref<10000xi32, #tpu.memory_space<hbm>>) target(%arg4 : memref<10000xi32, #tpu.memory_space<vmem>>) target_semaphore(%run_scoped3A : memref<!tpu.dma_semaphore, #tpu.memory_space<semaphore_mem>>)
      %dma_wait3A = tpu.memref_slice %arg2[%mul3A_5] : memref<320000xi32, #tpu.memory_space<hbm>> -> memref<10000xi32, #tpu.memory_space<hbm>>
      %dma_wait3A_18 = tpu.memref_slice %arg2[%mul3A_5] : memref<320000xi32, #tpu.memory_space<hbm>> -> memref<10000xi32, #tpu.memory_space<hbm>>
      tpu.wait_dma2 semaphore(%run_scoped3A : memref<!tpu.dma_semaphore, #tpu.memory_space<semaphore_mem>>) src(%dma_wait3A_18 : memref<10000xi32, #tpu.memory_space<hbm>>) dst(%arg4 : memref<10000xi32, #tpu.memory_space<vmem>>)
      tpu.yield
    }) : () -> ()
    %scan3A = arith.constant 0 : i32
    %scan3A_6 = arith.constant 640 : i32
    %scan3A_7 = arith.addi %scan3A, %scan3A_6 : i32
    %scan3A_8 = arith.constant 1 : i32
    scf.for %scan3A_17 = %scan3A to %scan3A_7 step %scan3A_8  : i32 {
      %mul3A_18 = arith.constant 16 : i32
      %mul3A_19 = arith.muli %scan3A_17, %mul3A_18 : i32
      %add3A_20 = arith.constant 0 : i32
      %add3A_21 = arith.addi %add3A_20, %mul3A_19 : i32
      %swap3A = arith.index_cast %add3A_21 : i32 to index
      %swap3A_22 = tpu.vector_load %arg5[%swap3A] {strides = array<i32>} : memref<10240xf32, #tpu.memory_space<vmem>>, vector<16xf32>,
      tpu.vector_store %arg5[%swap3A], %broadcast_in_dim3A_1 {strides = array<i32>} : memref<10240xf32, #tpu.memory_space<vmem>>, vector<16xf32>,
    }
    %scan3A_9 = arith.constant 640 : i32
    %scan3A_10 = arith.constant 0 : i32
    %scan3A_11 = arith.constant 625 : i32
    %scan3A_12 = arith.addi %scan3A_10, %scan3A_11 : i32
    %scan3A_13 = arith.constant 1 : i32
    scf.for %scan3A_17 = %scan3A_10 to %scan3A_12 step %scan3A_13  : i32 {
      %mul3A_18 = arith.constant 16 : i32
      %mul3A_19 = arith.muli %scan3A_17, %mul3A_18 : i32
      %add3A_20 = arith.constant 0 : i32
      %add3A_21 = arith.addi %add3A_20, %mul3A_19 : i32
      %get3A = arith.index_cast %add3A_21 : i32 to index
      %get3A_22 = tpu.vector_load %arg4[%get3A] {strides = array<i32>} : memref<10000xi32, #tpu.memory_space<vmem>>, vector<16xi32>,
      tpu.vector_store_idx %arg5[%get3A_22], %broadcast_in_dim3A_3 {add = true} : memref<10240xf32, #tpu.memory_space<vmem>>[vector<16xi32>], vector<16xf32>,
    }
    %scan3A_14 = arith.constant 625 : i32
    %mul3A_15 = arith.constant 10240 : i32
    %mul3A_16 = arith.muli %add3A, %mul3A_15 : i32
    "tpu.region"() ({
      %run_scoped3A = tpu.sem_alloc : memref<!tpu.dma_semaphore, #tpu.memory_space<semaphore_mem>>
      %dma_start3A = tpu.memref_slice %arg3[%mul3A_16] : memref<327680xf32, #tpu.memory_space<hbm>> -> memref<10240xf32, #tpu.memory_space<hbm>>
      %dma_start3A_17 = tpu.memref_slice %arg3[%mul3A_16] : memref<327680xf32, #tpu.memory_space<hbm>> -> memref<10240xf32, #tpu.memory_space<hbm>>
      tpu.enqueue_dma source(%arg5 : memref<10240xf32, #tpu.memory_space<vmem>>) target(%dma_start3A_17 : memref<10240xf32, #tpu.memory_space<hbm>>) target_semaphore(%run_scoped3A : memref<!tpu.dma_semaphore, #tpu.memory_space<semaphore_mem>>)
      %dma_wait3A = tpu.memref_slice %arg3[%mul3A_16] : memref<327680xf32, #tpu.memory_space<hbm>> -> memref<10240xf32, #tpu.memory_space<hbm>>
      %dma_wait3A_18 = tpu.memref_slice %arg3[%mul3A_16] : memref<327680xf32, #tpu.memory_space<hbm>> -> memref<10240xf32, #tpu.memory_space<hbm>>
      tpu.wait_dma2 semaphore(%run_scoped3A : memref<!tpu.dma_semaphore, #tpu.memory_space<semaphore_mem>>) src(%arg5 : memref<10240xf32, #tpu.memory_space<vmem>>) dst(%dma_wait3A_18 : memref<10240xf32, #tpu.memory_space<hbm>>)
      tpu.yield
    }) : () -> ()
    return
  }
}

module attributes {stable_mosaic.version = 14 : i64} {
  func.func @body(%arg0: i32, %arg1: memref<1024x128xf32, #tpu.memory_space<vmem>>, %arg2: memref<128x128xf32, #tpu.memory_space<vmem>>, %arg3: memref<1x128xf32, #tpu.memory_space<vmem>>, %arg4: memref<1024x128xf32, #tpu.memory_space<vmem>>) attributes {dimension_semantics = [#tpu.dimension_semantics<arbitrary>], iteration_bounds = array<i64: 10>, scalar_prefetch = 0 : i64, scratch_operands = 0 : i64, tpu.core_type = #tpu.core_type<tc>, window_params = [{transform_indices = @transform_0, window_bounds = array<i64: 1024, 128>}, {pipeline_mode = #tpu.pipeline_mode<synchronous>, transform_indices = @transform_1, window_bounds = array<i64: 128, 128>}, {pipeline_mode = #tpu.pipeline_mode<synchronous>, transform_indices = @transform_2, window_bounds = array<i64: 1, 128>}, {transform_indices = @transform_3, window_bounds = array<i64: 1024, 128>}]} {
    %get3A = arith.constant 0 : index
    %get3A_0 = arith.constant 0 : index
    %get3A_1 = vector.load %arg1[%get3A, %get3A_0] : memref<1024x128xf32, #tpu.memory_space<vmem>>, vector<1024x128xf32>
    %get3A_2 = arith.constant 0 : index
    %get3A_3 = arith.constant 0 : index
    %get3A_4 = vector.load %arg2[%get3A_2, %get3A_3] : memref<128x128xf32, #tpu.memory_space<vmem>>, vector<128x128xf32>
    %dot_general3A = arith.constant dense<0.000000e+00> : vector<1024x128xf32>
    %dot_general3A_5 = tpu.matmul %get3A_1, %get3A_4, %dot_general3A {dimension_numbers = #tpu.dot_dimension_numbers<[1], [0], [0], [1], [0, 0, 1, 1], [], []>, transpose_lhs_hint = false} : vector<1024x128xf32>, vector<128x128xf32>, vector<1024x128xf32> -> vector<1024x128xf32>
    %get3A_6 = arith.constant 0 : index
    %get3A_7 = arith.constant 0 : index
    %get3A_8 = vector.load %arg3[%get3A_6, %get3A_7] : memref<1x128xf32, #tpu.memory_space<vmem>>, vector<1x128xf32>
    %add3A = vector.broadcast %get3A_8 : vector<1x128xf32> to vector<1024x128xf32>
    %add3A_9 = arith.addf %dot_general3A_5, %add3A : vector<1024x128xf32>
    %swap3A = arith.constant 0 : index
    %swap3A_10 = arith.constant 0 : index
    %swap3A_11 = vector.load %arg4[%swap3A, %swap3A_10] : memref<1024x128xf32, #tpu.memory_space<vmem>>, vector<1024x128xf32>
    tpu.vector_store %arg4[%swap3A, %swap3A_10], %add3A_9 {strides = array<i32>} : memref<1024x128xf32, #tpu.memory_space<vmem>>, vector<1024x128xf32>,
    return
  }
  func.func @transform_0(%arg0: i32) -> (i32, i32) {
    %c0_i32 = arith.constant 0 : i32
    %c0_i32_0 = arith.constant 0 : i32
    return %arg0, %c0_i32 : i32, i32
  }
  func.func @transform_1(%arg0: i32) -> (i32, i32) {
    %c0_i32 = arith.constant 0 : i32
    %c0_i32_0 = arith.constant 0 : i32
    %c0_i32_1 = arith.constant 0 : i32
    return %c0_i32, %c0_i32_0 : i32, i32
  }
  func.func @transform_2(%arg0: i32) -> (i32, i32) {
    %c0_i32 = arith.constant 0 : i32
    %c0_i32_0 = arith.constant 0 : i32
    %c0_i32_1 = arith.constant 0 : i32
    return %c0_i32, %c0_i32_0 : i32, i32
  }
  func.func @transform_3(%arg0: i32) -> (i32, i32) {
    %c0_i32 = arith.constant 0 : i32
    %c0_i32_0 = arith.constant 0 : i32
    return %arg0, %c0_i32 : i32, i32
  }
}

module attributes {stable_mosaic.version = 14 : i64} {
  func.func @body(%arg0: i32, %arg1: memref<1024x128xf32, #tpu.memory_space<vmem>>, %arg2: memref<2x1024x128xf32, #tpu.memory_space<vmem>>, %arg3: memref<32x1024xf32, #tpu.memory_space<vmem>>, %arg4: memref<128x128xf32, #tpu.memory_space<vmem>>, %arg5: memref<1024x128xf32, #tpu.memory_space<vmem>>) attributes {dimension_semantics = [#tpu.dimension_semantics<arbitrary>], iteration_bounds = array<i64: 10>, scalar_prefetch = 0 : i64, scratch_operands = 0 : i64, tpu.core_type = #tpu.core_type<tc>, window_params = [{transform_indices = @transform_0, window_bounds = array<i64: 1024, 128>}, {transform_indices = @transform_1, window_bounds = array<i64: 2, 1024, 128>}, {transform_indices = @transform_2, window_bounds = array<i64: 32, 1024>}, {pipeline_mode = #tpu.pipeline_mode<synchronous>, transform_indices = @transform_3, window_bounds = array<i64: 128, 128>}, {transform_indices = @transform_4, window_bounds = array<i64: 1024, 128>}]} {
    %get3A = arith.constant 0 : index
    %get3A_0 = arith.constant 0 : index
    %get3A_1 = arith.constant 0 : index
    %get3A_2 = vector.load %arg2[%get3A, %get3A_0, %get3A_1] : memref<2x1024x128xf32, #tpu.memory_space<vmem>>, vector<1x1024x128xf32>
    %get3A_3 = vector.shape_cast %get3A_2 : vector<1x1024x128xf32> to vector<1024x128xf32>
    %get3A_4 = arith.constant 1 : index
    %get3A_5 = arith.constant 0 : index
    %get3A_6 = arith.constant 0 : index
    %get3A_7 = vector.load %arg2[%get3A_4, %get3A_5, %get3A_6] : memref<2x1024x128xf32, #tpu.memory_space<vmem>>, vector<1x1024x128xf32>
    %get3A_8 = vector.shape_cast %get3A_7 : vector<1x1024x128xf32> to vector<1024x128xf32>
    %add3A = arith.addf %get3A_3, %get3A_8 : vector<1024x128xf32>
    %get3A_9 = arith.constant 0 : index
    %get3A_10 = arith.constant 0 : index
    %get3A_11 = vector.load %arg3[%get3A_9, %get3A_10] : memref<32x1024xf32, #tpu.memory_space<vmem>>, vector<32x1024xf32>
    %reduce_sum3A = arith.constant dense<0.000000e+00> : vector<1024xf32>
    %reduce_sum3A_12 = vector.multi_reduction <add>, %get3A_11, %reduce_sum3A [0] : vector<32x1024xf32> to vector<1024xf32>
    %max3A = arith.constant 1.000000e+00 : f32
    %max3A_13 = vector.broadcast %max3A : f32 to vector<1024xf32>
    %max3A_14 = arith.maximumf %reduce_sum3A_12, %max3A_13 : vector<1024xf32>
    %div3A = arith.constant 1.000000e+00 : f32
    %div3A_15 = vector.broadcast %div3A : f32 to vector<1024xf32>
    %div3A_16 = arith.divf %div3A_15, %max3A_14 : vector<1024xf32>
    %broadcast_in_dim3A = vector.shape_cast %div3A_16 : vector<1024xf32> to vector<1024x1xf32>
    %mul3A = vector.broadcast %broadcast_in_dim3A : vector<1024x1xf32> to vector<1024x128xf32>
    %mul3A_17 = arith.mulf %add3A, %mul3A : vector<1024x128xf32>
    %get3A_18 = arith.constant 0 : index
    %get3A_19 = arith.constant 0 : index
    %get3A_20 = vector.load %arg1[%get3A_18, %get3A_19] : memref<1024x128xf32, #tpu.memory_space<vmem>>, vector<1024x128xf32>
    %get3A_21 = arith.constant 0 : index
    %get3A_22 = arith.constant 0 : index
    %get3A_23 = vector.load %arg4[%get3A_21, %get3A_22] : memref<128x128xf32, #tpu.memory_space<vmem>>, vector<128x128xf32>
    %dot_general3A = arith.constant dense<0.000000e+00> : vector<1024x128xf32>
    %dot_general3A_24 = tpu.matmul %mul3A_17, %get3A_23, %dot_general3A {dimension_numbers = #tpu.dot_dimension_numbers<[1], [0], [0], [1], [0, 0, 1, 1], [], []>, transpose_lhs_hint = false} : vector<1024x128xf32>, vector<128x128xf32>, vector<1024x128xf32> -> vector<1024x128xf32>
    %add3A_25 = arith.addf %get3A_20, %dot_general3A_24 : vector<1024x128xf32>
    %max3A_26 = arith.constant 0.000000e+00 : f32
    %max3A_27 = vector.broadcast %max3A_26 : f32 to vector<1024x128xf32>
    %max3A_28 = arith.maximumf %add3A_25, %max3A_27 : vector<1024x128xf32>
    %swap3A = arith.constant 0 : index
    %swap3A_29 = arith.constant 0 : index
    %swap3A_30 = vector.load %arg5[%swap3A, %swap3A_29] : memref<1024x128xf32, #tpu.memory_space<vmem>>, vector<1024x128xf32>
    tpu.vector_store %arg5[%swap3A, %swap3A_29], %max3A_28 {strides = array<i32>} : memref<1024x128xf32, #tpu.memory_space<vmem>>, vector<1024x128xf32>,
    return
  }
  func.func @transform_0(%arg0: i32) -> (i32, i32) {
    %c0_i32 = arith.constant 0 : i32
    %c0_i32_0 = arith.constant 0 : i32
    return %arg0, %c0_i32 : i32, i32
  }
  func.func @transform_1(%arg0: i32) -> (i32, i32, i32) {
    %c0_i32 = arith.constant 0 : i32
    %c0_i32_0 = arith.constant 0 : i32
    %c0_i32_1 = arith.constant 0 : i32
    return %c0_i32, %arg0, %c0_i32_0 : i32, i32, i32
  }
  func.func @transform_2(%arg0: i32) -> (i32, i32) {
    %c0_i32 = arith.constant 0 : i32
    %c0_i32_0 = arith.constant 0 : i32
    return %c0_i32, %arg0 : i32, i32
  }
  func.func @transform_3(%arg0: i32) -> (i32, i32) {
    %c0_i32 = arith.constant 0 : i32
    %c0_i32_0 = arith.constant 0 : i32
    %c0_i32_1 = arith.constant 0 : i32
    return %c0_i32, %c0_i32_0 : i32, i32
  }
  func.func @transform_4(%arg0: i32) -> (i32, i32) {
    %c0_i32 = arith.constant 0 : i32
    %c0_i32_0 = arith.constant 0 : i32
    return %arg0, %c0_i32 : i32, i32
  }
}

module attributes {stable_mosaic.version = 14 : i64} {
  func.func @body(%arg0: i32, %arg1: memref<1024x128xf32, #tpu.memory_space<vmem>>, %arg2: memref<128x64xf32, #tpu.memory_space<vmem>>, %arg3: memref<1x64xf32, #tpu.memory_space<vmem>>, %arg4: memref<1024x64xf32, #tpu.memory_space<vmem>>) attributes {dimension_semantics = [#tpu.dimension_semantics<arbitrary>], iteration_bounds = array<i64: 10>, scalar_prefetch = 0 : i64, scratch_operands = 0 : i64, tpu.core_type = #tpu.core_type<tc>, window_params = [{transform_indices = @transform_0, window_bounds = array<i64: 1024, 128>}, {pipeline_mode = #tpu.pipeline_mode<synchronous>, transform_indices = @transform_1, window_bounds = array<i64: 128, 64>}, {pipeline_mode = #tpu.pipeline_mode<synchronous>, transform_indices = @transform_2, window_bounds = array<i64: 1, 64>}, {transform_indices = @transform_3, window_bounds = array<i64: 1024, 64>}]} {
    %get3A = arith.constant 0 : index
    %get3A_0 = arith.constant 0 : index
    %get3A_1 = vector.load %arg1[%get3A, %get3A_0] : memref<1024x128xf32, #tpu.memory_space<vmem>>, vector<1024x128xf32>
    %get3A_2 = arith.constant 0 : index
    %get3A_3 = arith.constant 0 : index
    %get3A_4 = vector.load %arg2[%get3A_2, %get3A_3] : memref<128x64xf32, #tpu.memory_space<vmem>>, vector<128x64xf32>
    %dot_general3A = arith.constant dense<0.000000e+00> : vector<1024x64xf32>
    %dot_general3A_5 = tpu.matmul %get3A_1, %get3A_4, %dot_general3A {dimension_numbers = #tpu.dot_dimension_numbers<[1], [0], [0], [1], [0, 0, 1, 1], [], []>, transpose_lhs_hint = false} : vector<1024x128xf32>, vector<128x64xf32>, vector<1024x64xf32> -> vector<1024x64xf32>
    %get3A_6 = arith.constant 0 : index
    %get3A_7 = arith.constant 0 : index
    %get3A_8 = vector.load %arg3[%get3A_6, %get3A_7] : memref<1x64xf32, #tpu.memory_space<vmem>>, vector<1x64xf32>
    %add3A = vector.broadcast %get3A_8 : vector<1x64xf32> to vector<1024x64xf32>
    %add3A_9 = arith.addf %dot_general3A_5, %add3A : vector<1024x64xf32>
    %swap3A = arith.constant 0 : index
    %swap3A_10 = arith.constant 0 : index
    %swap3A_11 = vector.load %arg4[%swap3A, %swap3A_10] : memref<1024x64xf32, #tpu.memory_space<vmem>>, vector<1024x64xf32>
    tpu.vector_store %arg4[%swap3A, %swap3A_10], %add3A_9 {strides = array<i32>} : memref<1024x64xf32, #tpu.memory_space<vmem>>, vector<1024x64xf32>,
    return
  }
  func.func @transform_0(%arg0: i32) -> (i32, i32) {
    %c0_i32 = arith.constant 0 : i32
    %c0_i32_0 = arith.constant 0 : i32
    return %arg0, %c0_i32 : i32, i32
  }
  func.func @transform_1(%arg0: i32) -> (i32, i32) {
    %c0_i32 = arith.constant 0 : i32
    %c0_i32_0 = arith.constant 0 : i32
    %c0_i32_1 = arith.constant 0 : i32
    return %c0_i32, %c0_i32_0 : i32, i32
  }
  func.func @transform_2(%arg0: i32) -> (i32, i32) {
    %c0_i32 = arith.constant 0 : i32
    %c0_i32_0 = arith.constant 0 : i32
    %c0_i32_1 = arith.constant 0 : i32
    return %c0_i32, %c0_i32_0 : i32, i32
  }
  func.func @transform_3(%arg0: i32) -> (i32, i32) {
    %c0_i32 = arith.constant 0 : i32
    %c0_i32_0 = arith.constant 0 : i32
    return %arg0, %c0_i32 : i32, i32
  }
}

module attributes {stable_mosaic.version = 14 : i64} {
  func.func @body(%arg0: i32, %arg1: memref<1024x64xf32, #tpu.memory_space<vmem>>, %arg2: memref<2x1024x128xf32, #tpu.memory_space<vmem>>, %arg3: memref<32x1024xf32, #tpu.memory_space<vmem>>, %arg4: memref<128x64xf32, #tpu.memory_space<vmem>>, %arg5: memref<1024x64xf32, #tpu.memory_space<vmem>>) attributes {dimension_semantics = [#tpu.dimension_semantics<arbitrary>], iteration_bounds = array<i64: 10>, scalar_prefetch = 0 : i64, scratch_operands = 0 : i64, tpu.core_type = #tpu.core_type<tc>, window_params = [{transform_indices = @transform_0, window_bounds = array<i64: 1024, 64>}, {transform_indices = @transform_1, window_bounds = array<i64: 2, 1024, 128>}, {transform_indices = @transform_2, window_bounds = array<i64: 32, 1024>}, {pipeline_mode = #tpu.pipeline_mode<synchronous>, transform_indices = @transform_3, window_bounds = array<i64: 128, 64>}, {transform_indices = @transform_4, window_bounds = array<i64: 1024, 64>}]} {
    %get3A = arith.constant 0 : index
    %get3A_0 = arith.constant 0 : index
    %get3A_1 = arith.constant 0 : index
    %get3A_2 = vector.load %arg2[%get3A, %get3A_0, %get3A_1] : memref<2x1024x128xf32, #tpu.memory_space<vmem>>, vector<1x1024x128xf32>
    %get3A_3 = vector.shape_cast %get3A_2 : vector<1x1024x128xf32> to vector<1024x128xf32>
    %get3A_4 = arith.constant 1 : index
    %get3A_5 = arith.constant 0 : index
    %get3A_6 = arith.constant 0 : index
    %get3A_7 = vector.load %arg2[%get3A_4, %get3A_5, %get3A_6] : memref<2x1024x128xf32, #tpu.memory_space<vmem>>, vector<1x1024x128xf32>
    %get3A_8 = vector.shape_cast %get3A_7 : vector<1x1024x128xf32> to vector<1024x128xf32>
    %add3A = arith.addf %get3A_3, %get3A_8 : vector<1024x128xf32>
    %get3A_9 = arith.constant 0 : index
    %get3A_10 = arith.constant 0 : index
    %get3A_11 = vector.load %arg3[%get3A_9, %get3A_10] : memref<32x1024xf32, #tpu.memory_space<vmem>>, vector<32x1024xf32>
    %reduce_sum3A = arith.constant dense<0.000000e+00> : vector<1024xf32>
    %reduce_sum3A_12 = vector.multi_reduction <add>, %get3A_11, %reduce_sum3A [0] : vector<32x1024xf32> to vector<1024xf32>
    %max3A = arith.constant 1.000000e+00 : f32
    %max3A_13 = vector.broadcast %max3A : f32 to vector<1024xf32>
    %max3A_14 = arith.maximumf %reduce_sum3A_12, %max3A_13 : vector<1024xf32>
    %div3A = arith.constant 1.000000e+00 : f32
    %div3A_15 = vector.broadcast %div3A : f32 to vector<1024xf32>
    %div3A_16 = arith.divf %div3A_15, %max3A_14 : vector<1024xf32>
    %broadcast_in_dim3A = vector.shape_cast %div3A_16 : vector<1024xf32> to vector<1024x1xf32>
    %mul3A = vector.broadcast %broadcast_in_dim3A : vector<1024x1xf32> to vector<1024x128xf32>
    %mul3A_17 = arith.mulf %add3A, %mul3A : vector<1024x128xf32>
    %get3A_18 = arith.constant 0 : index
    %get3A_19 = arith.constant 0 : index
    %get3A_20 = vector.load %arg1[%get3A_18, %get3A_19] : memref<1024x64xf32, #tpu.memory_space<vmem>>, vector<1024x64xf32>
    %get3A_21 = arith.constant 0 : index
    %get3A_22 = arith.constant 0 : index
    %get3A_23 = vector.load %arg4[%get3A_21, %get3A_22] : memref<128x64xf32, #tpu.memory_space<vmem>>, vector<128x64xf32>
    %dot_general3A = arith.constant dense<0.000000e+00> : vector<1024x64xf32>
    %dot_general3A_24 = tpu.matmul %mul3A_17, %get3A_23, %dot_general3A {dimension_numbers = #tpu.dot_dimension_numbers<[1], [0], [0], [1], [0, 0, 1, 1], [], []>, transpose_lhs_hint = false} : vector<1024x128xf32>, vector<128x64xf32>, vector<1024x64xf32> -> vector<1024x64xf32>
    %add3A_25 = arith.addf %get3A_20, %dot_general3A_24 : vector<1024x64xf32>
    %reduce_max3A = arith.constant dense<0xFF800000> : vector<1024xf32>
    %reduce_max3A_26 = vector.multi_reduction <maximumf>, %add3A_25, %reduce_max3A [1] : vector<1024x64xf32> to vector<1024xf32>
    %broadcast_in_dim3A_27 = vector.shape_cast %reduce_max3A_26 : vector<1024xf32> to vector<1024x1xf32>
    %sub3A = vector.broadcast %broadcast_in_dim3A_27 : vector<1024x1xf32> to vector<1024x64xf32>
    %sub3A_28 = arith.subf %add3A_25, %sub3A : vector<1024x64xf32>
    %exp3A = math.exp %sub3A_28 : vector<1024x64xf32>
    %reduce_sum3A_29 = arith.constant dense<0.000000e+00> : vector<1024xf32>
    %reduce_sum3A_30 = vector.multi_reduction <add>, %exp3A, %reduce_sum3A_29 [1] : vector<1024x64xf32> to vector<1024xf32>
    %broadcast_in_dim3A_31 = vector.shape_cast %reduce_sum3A_30 : vector<1024xf32> to vector<1024x1xf32>
    %div3A_32 = vector.broadcast %broadcast_in_dim3A_31 : vector<1024x1xf32> to vector<1024x64xf32>
    %div3A_33 = arith.divf %exp3A, %div3A_32 : vector<1024x64xf32>
    %swap3A = arith.constant 0 : index
    %swap3A_34 = arith.constant 0 : index
    %swap3A_35 = vector.load %arg5[%swap3A, %swap3A_34] : memref<1024x64xf32, #tpu.memory_space<vmem>>, vector<1024x64xf32>
    tpu.vector_store %arg5[%swap3A, %swap3A_34], %div3A_33 {strides = array<i32>} : memref<1024x64xf32, #tpu.memory_space<vmem>>, vector<1024x64xf32>,
    return
  }
  func.func @transform_0(%arg0: i32) -> (i32, i32) {
    %c0_i32 = arith.constant 0 : i32
    %c0_i32_0 = arith.constant 0 : i32
    return %arg0, %c0_i32 : i32, i32
  }
  func.func @transform_1(%arg0: i32) -> (i32, i32, i32) {
    %c0_i32 = arith.constant 0 : i32
    %c0_i32_0 = arith.constant 0 : i32
    %c0_i32_1 = arith.constant 0 : i32
    return %c0_i32, %arg0, %c0_i32_0 : i32, i32, i32
  }
  func.func @transform_2(%arg0: i32) -> (i32, i32) {
    %c0_i32 = arith.constant 0 : i32
    %c0_i32_0 = arith.constant 0 : i32
    return %c0_i32, %arg0 : i32, i32
  }
  func.func @transform_3(%arg0: i32) -> (i32, i32) {
    %c0_i32 = arith.constant 0 : i32
    %c0_i32_0 = arith.constant 0 : i32
    %c0_i32_1 = arith.constant 0 : i32
    return %c0_i32, %c0_i32_0 : i32, i32
  }
  func.func @transform_4(%arg0: i32) -> (i32, i32) {
    %c0_i32 = arith.constant 0 : i32
    %c0_i32_0 = arith.constant 0 : i32
    return %arg0, %c0_i32 : i32, i32
  }
}

</mosaic_0001>

<sc_bundles>
// kernel: kernel.12.cloned.1.call-start
scs
__scs_entry_jumppad:
0x0: {  	(pc) =	sbr.rel $0x88, $3  }
0x1: {  	(tag) =	ssettag $0x0;
	lr =	simm.s32 $0x1  }
0x2: {  	[smem:$0x3F99] =	sst lr;
	_ =	strace $0xD0000000  }
0x3: {  	_ = 	snop  }
0x4: {  	_ = 	snop  }
0x5: {  	_ = 	snop  }
0x6: {  	_ = 	snop  }
0x7: {  	_ = 	snop  }
__scs_overlays_trampoline_lowered:
0x8: {  	[smem:$0x3FA8] =	sst s0  }
0x9: {  	[smem:$0x3FA9] =	sst s1  }
0xa: {  	[smem:$0x3FAA] =	sst s2  }
0xb: {  	[smem:$0x3FAB] =	sst s3  }
0xc: {  	[smem:$0x3FAC] =	sst s4  }
0xd: {  	[smem:$0x3FAD] =	sst s5  }
0xe: {  	[smem:$0x3FAE] =	sst s6  }
0xf: {  	[smem:$0x3FAF] =	sst s7  }
0x10: {  	[smem:$0x3FB0] =	sst s8  }
0x11: {  	[smem:$0x3FB1] =	sst s9;
	s0 =	simm.s32 @!p0 $0x0  }
0x12: {  	s1 =	sld [smem:$0x3F97];
	s0 =	simm.s32 @p0 $0x1  }
0x13: {  	[smem:$0x3FB2] =	sst s0;
	s0 =	simm.s32 @!p1 $0x0  }
0x14: {  	s2 =	sld [smem:$0x3F96];
	s0 =	simm.s32 @p1 $0x1  }
0x15: {  	[smem:$0x3FB3] =	sst s0;
	s0 =	simm.s32 @!p2 $0x0  }
0x16: {  	s3 =	sld [smem:$0x3FDB];
	s0 =	simm.s32 @p2 $0x1  }
0x17: {  	s4 =	simm.s32 $0x1BF5;
	[smem:$0x3FB5] =	sst s0  }
0x18: {  	s0 =	sld [smem:$0x3F98];
	_ =	swait.ge [sflag:s4], $0x0  }
0x19: {  	s7 =	sld [smem:$0x3F99]  }
0x1a: {  	s8 =	sadd.s32 $0xFFFFE003, lr  }
0x1b: {  	s9 =	sadd.s32 $0xFFFFFEF7, lr;
	s5 =	simm.s32 $0xFFFFFFFF;
	p2 =	slt.u32 s8, $0xFFFFF086  }
0x1c: {  	p1 =	slt.u32 s9, $0xF7A;
	s5 =	simm.s32 @!p2 $0x0  }
0x1d: {  	s5 =	simm.s32 @p1 $0x1;
	p0 =	seq.s32 s7, s2  }
0x1e: {  	s7 =	smul.u32 @!p0 $0xF7A, s2;
	p2 =	seq.s32 @!p0 s5, $0x0  }
0x1f: {  	s9 =	smul.u32 $0xF7A, s1;
	s8 =	simm.s32 @!p0 $0x1BF5;
	p2 =	por !p2, p0  }
0x20: {  	[sflag:s8] =	ssyncset.s32 @!p0 $0xFFFFF086;
	s6 =	sadd.s32 @!p0 s3, s7;
	s7 =	simm.s32 @!p0 $0x108  }
0x21: {  	s3 =	sadd.s32 s3, s9;
	s6 =	sadd.s32 @!p0 $0x88, s6;
	s7 =	simm.s32 @p2 $0x1082  }
0x22: {  	[simem:s7], [sflag:s8] =	dma.local @!p0 [hbm:s6], $0xF7A  }
0x23: {  	s9 =	sor.u32 $0xD0000000, s2;
	s6 =	simm.s32 $0x108;
	_ =	swait.ge @!p0 [sflag:s8], $0x0  }
0x24: {  	s3 =	sadd.s32 $0x88, s3;
	s6 =	simm.s32 @!p1 $0x1082;
	[sflag:s4] =	ssyncset.s32 $0xFFFFF086  }
0x25: {  	[simem:s6], [sflag:s4] =	dma.local [hbm:s3], $0xF7A  }
0x26: {  	[smem:$0x3F99] =	sst s1;
	(tag) =	ssettag s2;
	_ =	strace s9  }
0x27: {  	s1 =	sld [smem:$0x3FA9]  }
0x28: {  	s2 =	sld [smem:$0x3FAA]  }
0x29: {  	s4 =	sld [smem:$0x3FAC]  }
0x2a: {  	p0 =	seq.s32 s5, $0x0;
	s5 =	sld [smem:$0x3FAD]  }
0x2b: {  	s6 =	sld [smem:$0x3FAE]  }
0x2c: {  	s7 =	sld [smem:$0x3FAF]  }
0x2d: {  	s3 =	simm.s32 $0x108;
	s8 =	sld [smem:$0x3FB0]  }
0x2e: {  	s3 =	simm.s32 @!p0 $0x1082;
	s9 =	sld [smem:$0x3FB1]  }
0x2f: {  	lr =	sadd.s32 s0, s3;
	s0 =	sld [smem:$0x3FA8]  }
0x30: {  	s3 =	sld [smem:$0x3FAB]  }
0x31: {  	[smem:$0x3FB4] =	sst s10  }
0x32: {  	s10 =	sld [smem:$0x3FB2];
	_ =	sdelay $0x3  }
0x33: {  	p0 =	seq.s32 s10, $0x1;
	s10 =	sld [smem:$0x3FB4];
	_ =	sdelay $0x3  }
0x34: {  	[smem:$0x3FB4] =	sst s10  }
0x35: {  	s10 =	sld [smem:$0x3FB3];
	_ =	sdelay $0x3  }
0x36: {  	p1 =	seq.s32 s10, $0x1;
	s10 =	sld [smem:$0x3FB4];
	_ =	sdelay $0x3  }
0x37: {  	[smem:$0x3FB4] =	sst s10  }
0x38: {  	s10 =	sld [smem:$0x3FB5]  }
0x39: {  	_ = 	snop;
	(pc) =	sbr.ind lr, $3  }
0x3a: {  	_ = 	snop  }
0x3b: {  	_ = 	snop  }
0x3c: {  	p2 =	seq.s32 s10, $0x1;
	s10 =	sld [smem:$0x3FB4]  }
0x3d: {  	_ =	shalt  }
0x3e: {  	_ =	shalt  }
0x3f: {  	_ =	shalt  }
0x40: {  	_ =	shalt  }
0x41: {  	_ =	shalt  }
0x42: {  	_ =	shalt  }
0x43: {  	_ =	shalt  }
0x44: {  	_ =	shalt  }
0x45: {  	_ =	shalt  }
0x46: {  	_ =	shalt  }
0x47: {  	_ =	shalt  }
0x48: {  	_ =	shalt  }
0x49: {  	_ =	shalt  }
0x4a: {  	_ =	shalt  }
0x4b: {  	_ =	shalt  }
0x4c: {  	_ =	shalt  }
0x4d: {  	_ =	shalt  }
0x4e: {  	_ =	shalt  }
0x4f: {  	_ =	shalt  }
0x50: {  	_ =	shalt  }
0x51: {  	_ =	shalt  }
0x52: {  	_ =	shalt  }
0x53: {  	_ =	shalt  }
0x54: {  	_ =	shalt  }
0x55: {  	_ =	shalt  }
0x56: {  	_ =	shalt  }
0x57: {  	_ =	shalt  }
0x58: {  	_ =	shalt  }
0x59: {  	_ =	shalt  }
0x5a: {  	_ =	shalt  }
0x5b: {  	_ =	shalt  }
0x5c: {  	_ =	shalt  }
0x5d: {  	_ =	shalt  }
0x5e: {  	_ =	shalt  }
0x5f: {  	_ =	shalt  }
0x60: {  	_ =	shalt  }
0x61: {  	_ =	shalt  }
0x62: {  	_ =	shalt  }
0x63: {  	_ =	shalt  }
0x64: {  	_ =	shalt  }
0x65: {  	_ =	shalt  }
0x66: {  	_ =	shalt  }
0x67: {  	_ =	shalt  }
0x68: {  	_ =	shalt  }
0x69: {  	_ =	shalt  }
0x6a: {  	_ =	shalt  }
0x6b: {  	_ =	shalt  }
0x6c: {  	_ =	shalt  }
0x6d: {  	_ =	shalt  }
0x6e: {  	_ =	shalt  }
0x6f: {  	_ =	shalt  }
0x70: {  	_ =	shalt  }
0x71: {  	_ =	shalt  }
0x72: {  	_ =	shalt  }
0x73: {  	_ =	shalt  }
0x74: {  	_ =	shalt  }
0x75: {  	_ =	shalt  }
0x76: {  	_ =	shalt  }
0x77: {  	_ =	shalt  }
0x78: {  	_ =	shalt  }
0x79: {  	_ =	shalt  }
0x7a: {  	_ =	shalt  }
0x7b: {  	_ =	shalt  }
0x7c: {  	_ =	shalt  }
0x7d: {  	_ =	shalt  }
0x7e: {  	_ =	shalt  }
0x7f: {  	_ =	shalt  }
0x80: {  	_ =	shalt  }
0x81: {  	_ =	shalt  }
0x82: {  	_ =	shalt  }
0x83: {  	_ =	shalt  }
0x84: {  	_ =	shalt  }
0x85: {  	_ =	shalt  }
0x86: {  	_ =	shalt  }
0x87: {  	_ =	shalt  }
.Lfunc_end0:
.L_simem_size_0:
called_computation.1_lowered:
.L_overlay_start_0:
0x88: {  	s2 =	sld [smem:$0x3FD9]  }
0x89: {  	s3 =	sld [smem:$0x3FFE];
	_ =	sdelay $0x1  }
0x8a: {  	s1 =	srdreg.scid  }
0x8b: {  	s0 =	sand.u32 $0x1, s1  }
0x8c: {  	s16 =	sshll.u32 s0, $0xA;
	s2 =	sadd.s32 s3, s2  }
0x8d: {  	s2 =	sadd.s32 s2, s16  }
0x8e: {  	[smem:$0x3FC0] =	sst s2  }
0x8f: {  	_ = 	snop  }
0x90: {  	(tm) =	ssettm $0x1  }
0x91: {  	s17 =	sld [smem:$0x3FFB];
	_ =	sdelay $0x3  }
0x92: {  	_ =	strace s17  }
0x93: {  	s2 =	sld [smem:$0x3FFC];
	_ =	sdelay $0x3  }
0x94: {  	_ =	strace s2  }
0x95: {  	s2 =	sld [smem:$0x3FFD];
	_ =	sdelay $0x3  }
0x96: {  	_ =	strace s2  }
0x97: {  	_ =	strace $0x8FFFFFFF  }
0x98: {  	s18 =	sld [smem:$0x3FDB];
	_ =	sdelay $0x1  }
0x99: {  	s19 =	simm.s32 $_scs_section_size  }
0x9a: {  	s4 =	simm.s32 $_size__tile_overlayer_lowered;
	s5 =	simm.s32 $_tile_overlayer_lowered  }
0x9b: {  	s22 =	simm.s32 $0x1BFF;
	s21 =	sshll.u32 s5, $0x1;
	s2 =	sadd.s32 s19, s18  }
0x9c: {  	s6 =	simm.s32 $0x0;
	s20 =	sshll.u32 s4, $0x1;
	s4 =	sadd.s32 s21, s2  }
0x9d: {  	[timem:s6], [sflag:s22] =	dma.local [hbm:s4], s20  }
0x9e: {  	_ =	swait.ge [sflag:s22], s20  }
0x9f: {  	s3 =	ssub.s32 $0x0, s20;
	[sflag:s22] =	ssyncset.done $0x0  }
0xa0: {  	[sflag:s22] =	ssyncadd.s32 s3;
	_ =	sdelay $0x1  }
0xa1: {  	s23 =	simm.s32 $0x1B8B  }
0xa2: {  	_ =	swait.ge [sflag:s23], $0x1  }
0xa3: {  	[sflag:s23] =	ssyncset.done $0x0  }
0xa4: {  	s25 =	simm.s32 $0x1B8E;
	s24 =	sld [smem:$0x3FFE];
	[sflag:s23] =	ssyncadd.s32 $0xFFFFFFFF  }
0xa5: {  	s26 =	simm.s32 $execute0_lowered;
	[smem:$0x3FD2] =	sst s25  }
0xa6: {  	s4 =	sshll.u32 s26, $0x1;
	_ =	strace $0x80000046;
	[dreg:$0x1] =	wrdreg $0xFFFFFFFF  }
0xa7: {  	s28 =	simm.s32 $_size_execute0_lowered;
	s2 =	sadd.s32 s2, s4;
	[dreg:$0x0] =	wrdreg $0x0  }
0xa8: {  	s4 =	sshll.u32 s28, $0x1;
	[dreg:$0x2] =	wrdreg s2  }
0xa9: {  	[dreg:$0x3] =	wrdreg s4  }
0xaa: {  	[dreg:$0x4] =	wrdreg $0xC0  }
0xab: {  	_ =	task [dreg:s6], $0x5FFFF  }
0xac: {  	[dreg:$0x1] =	wrdreg $0xFFFFFFFF  }
0xad: {  	[dreg:$0x0] =	wrdreg $0x60  }
0xae: {  	[dreg:$0x2] =	wrdreg s24  }
0xaf: {  	[dreg:$0x3] =	wrdreg $0xA  }
0xb0: {  	_ =	task.clear_ibuf [dreg:s6], $0x4FFFF;
	_ =	strace $0x90000046  }
0xb1: {  	s29 =	simm.s32 $0xA;
	_ =	strace $0x80000048  }
0xb2: {  	_ =	swait.ge [sflag:s29], $0x1  }
0xb3: {  	[sflag:s29] =	ssyncadd.s32 $0xFFFFFFFF  }
0xb4: {  	_ =	strace $0x90000048  }
0xb5: {  	_ =	sfence  }
0xb6: {  	s30 =	sld [smem:$0x0];
	_ =	sdelay $0x2  }
0xb7: {  	s31 =	sshll.u32 s1, $0xD;
	s1 =	sshrl.u32 s1, $0x2  }
0xb8: {  	s3 =	sand.u32 $0x4000, s31;
	s1 =	sadd.s32 s1, s30  }
0xb9: {  	s0 =	sor.u32 s3, s0;
	s1 =	sshll.u32 s1, $0x11  }
0xba: {  	s0 =	sor.u32 s1, s0  }
0xbb: {  	s0 =	sadd.s32 $0x8F2B, s0  }
0xbc: {  	[sflag:s0] =	ssyncadd.remote.s32 $0x1  }
0xbd: {  	_ =	sfence.sel $0xFFFF  }
0xbe: {  	[dreg:$0x0] =	wrdreg $0xFFFFFFFF;
	(pc) =	sbr.abs _section_cstart, $3  }
0xbf: {  	[dreg:$0x1] =	wrdreg $0xFFFFFFFF  }
0xc0: {  	_ =	task.clear_ibuf [dreg:s6], $0x2FFFF;
	_ =	strace $0x9FFFFFFF  }
0xc1: {  	(tm) =	ssettm $0x7FFFFFFF  }
tec
execute0_lowered:
.L_overlay_start_1:
0x0: {  	(tag) =	ssettag $0x1  }
0x1: {  	s1 =	srdreg.scid;
	s0 =	stileid.u32  }
0x2: {  	s4 =	rddreg [dreg:$0x0];
	s3 =	sand.u32 $0x1, s1;
	s30 =	sshll.u32 s0, $0x1  }
0x3: {  	s2 =	simm.s32 $0x0;
	s8 =	simm.s32 $0x0;
	s5 =	sor.u32 s3, s30  }
0x4: {  	s1 =	rddreg [dreg:$0x1];
	s3 =	ssub.s32 $0x2, s3;
	s6 =	smul.u32 $0x4E2, s5  }
0x5: {  	[smem:$0x7FF] =	sst s2;
	s5 =	smul.u32 $0x500, s5;
	s7 =	sshrl.u32 s3, $0x1  }
0x6: {  	_ =	strace $0x80000047;
	s31 =	ssub.s32 s3, s7;
	s7 =	simm.s32 $0x2780  }
0x7: {  	s6 =	sadd.s32 s6, s4;
	s4 =	sadd.s32 s5, s4;
	s5 =	smax.u32 s31, $0x1  }
0x8: {  	v0 =	vimm.f32 $0.0e+00;
	v1 =	vimm.f32 $1.000000000e+00;
	s3 =	sadd.s32 $0x2200, s6;
	s4 =	sadd.s32 $0x15E00, s4;
	s6 =	simm.s32 $0x1  }
.LBB2_1:
0x9: {  	[tilespmem:s2], [sflag:$0x1] =	stream.linear.gather [hbm4b:s3+s2], $0x2710, $0x38;
	[tilespmem:$0x4F80] =	vst v63  }
0xa: {  	_ =	swait.ge [sflag:s6], $0x2710  }
0xb: {  	[sflag:s6] =	ssyncset.done $0x0  }
0xc: {  	s9 =	simm.s32 $0x0;
	[sflag:s6] =	ssyncadd.s32 $0xFFFFD8F0  }
.LBB2_2:
0xd: {  	p0 =	sne.s32 s9, $0x9FC0  }
.Ltmp0:
0xe: {  	_ = 	snop;
	(pc) =	sbr.rel @p0 .LBB2_2-.Ltmp0, $3  }
0xf: {  	_ =	sdelay $0x1  }
0x10: {  	s10 =	sshra.s32 s9, $0x2  }
0x11: {  	s9 =	sadd.s32 $0x40, s9;
	[tilespmem:s10+$0x2780] =	vst v0  }
0x12: {  	s10 =	simm.s32 $0x0;
	s9 =	simm.s32 $0x40  }
.LBB2_4:
0x13: {  	p0 =	sne.s32 s9, $0x9C00;
	v2 =	vld [tilespmem:s10+$0x0];
	_ =	sdelay $0x3  }
.Ltmp1:
0x14: {  	(pc) =	sbr.rel @p0 .LBB2_4-.Ltmp1, $2  }
0x15: {  	_ =	sdelay $0x2  }
0x16: {  	s10 =	sshra.s32 s9, $0x2;
	s9 =	sadd.s32 $0x40, s9;
	[tilespmem:v2+s7+$0x0] =	vst.idx.add.f32.msk $0xffff, v1  }
0x17: {  	v2 =	vld [tilespmem:s10+$0x0];
	_ =	sdelay $0x5  }
0x18: {  	s8 =	sadd.s32 $0x1, s8  }
0x19: {  	p0 =	sne.s32 s8, s5  }
.Ltmp2:
0x1a: {  	[tilespmem:v2+s7+$0x0] =	vst.idx.add.f32.msk $0xffff, v1;
	(pc) =	sbr.rel @p0 .LBB2_1-.Ltmp2, $4  }
0x1b: {  	[hbm4b:s4+s2] =	stream.linear.scatter [tilespmem:s7], [sflag:$0x1], $0x2800, $0x38;
	[tilespmem:$0x4F80] =	vst v63  }
0x1c: {  	_ =	swait.ge [sflag:s6], $0x2800  }
0x1d: {  	[sflag:s6] =	ssyncset.done $0x0  }
0x1e: {  	[sflag:s6] =	ssyncadd.s32 $0xFFFFD800  }
0x1f: {  	_ =	sfence.sel $0x180000  }
0x20: {  	[bflag:$0x0] =	sbarrier.arrive $0xFFFF  }
0x21: {  	p0 =	sne.s32 s0, $0x0;
	_ =	strace $0x90000047  }
0x22: {  	s0 =	sadd.s32 @!p0 $0x100000, s1;
	[bflag:$0x2] =	sbarrier.arrive $0xFFFF  }
0x23: {  	[sflag:s0] =	ssyncadd.tile.s32 @!p0 $0x1;
	_ =	shalt  }
.Lfunc_end2:
_tile_overlayer_lowered:
.L_overlay_start_2:
0x24: {  	(tag) =	ssettag $0x2  }
0x25: {  	s0 =	rddreg [dreg:$0x0];
	s2 =	stileid.u32  }
0x26: {  	s1 =	rddreg [dreg:$0x1];
	p0 =	sne.s32 s2, $0x0  }
0x27: {  	s3 =	rddreg [dreg:$0x2];
	[bflag:$0x3] =	sbarrier.arrive $0xFFFF;
	s2 =	simm.s32 @!p0 $0x1C01  }
0x28: {  	[timem:s3], [sflag:s2] =	dma.local @!p0 [hbm:s0], s1  }
0x29: {  	s0 =	simm.s32 @!p0 $0x1  }
0x2a: {  	_ =	swait.ge @!p0 [sflag:s0], s1  }
0x2b: {  	s1 =	ssub.s32 @!p0 $0x0, s1;
	[sflag:s0] =	ssyncset.done @!p0 $0x0  }
0x2c: {  	[sflag:s0] =	ssyncadd.s32 @!p0 s1  }
0x2d: {  	[bflag:$0x3] =	sbarrier.arrive $0xFFFF  }
0x2e: {  	_ =	shalt  }

// kernel: kernel.15.cloned.1.call-start
scs
__scs_entry_jumppad:
0x0: {  	(pc) =	sbr.rel $0x88, $3  }
0x1: {  	(tag) =	ssettag $0x0;
	lr =	simm.s32 $0x1  }
0x2: {  	[smem:$0x3F99] =	sst lr;
	_ =	strace $0xD0000000  }
0x3: {  	_ = 	snop  }
0x4: {  	_ = 	snop  }
0x5: {  	_ = 	snop  }
0x6: {  	_ = 	snop  }
0x7: {  	_ = 	snop  }
__scs_overlays_trampoline_lowered:
0x8: {  	[smem:$0x3FA8] =	sst s0  }
0x9: {  	[smem:$0x3FA9] =	sst s1  }
0xa: {  	[smem:$0x3FAA] =	sst s2  }
0xb: {  	[smem:$0x3FAB] =	sst s3  }
0xc: {  	[smem:$0x3FAC] =	sst s4  }
0xd: {  	[smem:$0x3FAD] =	sst s5  }
0xe: {  	[smem:$0x3FAE] =	sst s6  }
0xf: {  	[smem:$0x3FAF] =	sst s7  }
0x10: {  	[smem:$0x3FB0] =	sst s8  }
0x11: {  	[smem:$0x3FB1] =	sst s9;
	s0 =	simm.s32 @!p0 $0x0  }
0x12: {  	s1 =	sld [smem:$0x3F97];
	s0 =	simm.s32 @p0 $0x1  }
0x13: {  	[smem:$0x3FB2] =	sst s0;
	s0 =	simm.s32 @!p1 $0x0  }
0x14: {  	s2 =	sld [smem:$0x3F96];
	s0 =	simm.s32 @p1 $0x1  }
0x15: {  	[smem:$0x3FB3] =	sst s0;
	s0 =	simm.s32 @!p2 $0x0  }
0x16: {  	s3 =	sld [smem:$0x3FDB];
	s0 =	simm.s32 @p2 $0x1  }
0x17: {  	s4 =	simm.s32 $0x1BF5;
	[smem:$0x3FB5] =	sst s0  }
0x18: {  	s0 =	sld [smem:$0x3F98];
	_ =	swait.ge [sflag:s4], $0x0  }
0x19: {  	s7 =	sld [smem:$0x3F99]  }
0x1a: {  	s8 =	sadd.s32 $0xFFFFE003, lr  }
0x1b: {  	s9 =	sadd.s32 $0xFFFFFEF7, lr;
	s5 =	simm.s32 $0xFFFFFFFF;
	p2 =	slt.u32 s8, $0xFFFFF086  }
0x1c: {  	p1 =	slt.u32 s9, $0xF7A;
	s5 =	simm.s32 @!p2 $0x0  }
0x1d: {  	s5 =	simm.s32 @p1 $0x1;
	p0 =	seq.s32 s7, s2  }
0x1e: {  	s7 =	smul.u32 @!p0 $0xF7A, s2;
	p2 =	seq.s32 @!p0 s5, $0x0  }
0x1f: {  	s9 =	smul.u32 $0xF7A, s1;
	s8 =	simm.s32 @!p0 $0x1BF5;
	p2 =	por !p2, p0  }
0x20: {  	[sflag:s8] =	ssyncset.s32 @!p0 $0xFFFFF086;
	s6 =	sadd.s32 @!p0 s3, s7;
	s7 =	simm.s32 @!p0 $0x108  }
0x21: {  	s3 =	sadd.s32 s3, s9;
	s6 =	sadd.s32 @!p0 $0x88, s6;
	s7 =	simm.s32 @p2 $0x1082  }
0x22: {  	[simem:s7], [sflag:s8] =	dma.local @!p0 [hbm:s6], $0xF7A  }
0x23: {  	s9 =	sor.u32 $0xD0000000, s2;
	s6 =	simm.s32 $0x108;
	_ =	swait.ge @!p0 [sflag:s8], $0x0  }
0x24: {  	s3 =	sadd.s32 $0x88, s3;
	s6 =	simm.s32 @!p1 $0x1082;
	[sflag:s4] =	ssyncset.s32 $0xFFFFF086  }
0x25: {  	[simem:s6], [sflag:s4] =	dma.local [hbm:s3], $0xF7A  }
0x26: {  	[smem:$0x3F99] =	sst s1;
	(tag) =	ssettag s2;
	_ =	strace s9  }
0x27: {  	s1 =	sld [smem:$0x3FA9]  }
0x28: {  	s2 =	sld [smem:$0x3FAA]  }
0x29: {  	s4 =	sld [smem:$0x3FAC]  }
0x2a: {  	p0 =	seq.s32 s5, $0x0;
	s5 =	sld [smem:$0x3FAD]  }
0x2b: {  	s6 =	sld [smem:$0x3FAE]  }
0x2c: {  	s7 =	sld [smem:$0x3FAF]  }
0x2d: {  	s3 =	simm.s32 $0x108;
	s8 =	sld [smem:$0x3FB0]  }
0x2e: {  	s3 =	simm.s32 @!p0 $0x1082;
	s9 =	sld [smem:$0x3FB1]  }
0x2f: {  	lr =	sadd.s32 s0, s3;
	s0 =	sld [smem:$0x3FA8]  }
0x30: {  	s3 =	sld [smem:$0x3FAB]  }
0x31: {  	[smem:$0x3FB4] =	sst s10  }
0x32: {  	s10 =	sld [smem:$0x3FB2];
	_ =	sdelay $0x3  }
0x33: {  	p0 =	seq.s32 s10, $0x1;
	s10 =	sld [smem:$0x3FB4];
	_ =	sdelay $0x3  }
0x34: {  	[smem:$0x3FB4] =	sst s10  }
0x35: {  	s10 =	sld [smem:$0x3FB3];
	_ =	sdelay $0x3  }
0x36: {  	p1 =	seq.s32 s10, $0x1;
	s10 =	sld [smem:$0x3FB4];
	_ =	sdelay $0x3  }
0x37: {  	[smem:$0x3FB4] =	sst s10  }
0x38: {  	s10 =	sld [smem:$0x3FB5]  }
0x39: {  	_ = 	snop;
	(pc) =	sbr.ind lr, $3  }
0x3a: {  	_ = 	snop  }
0x3b: {  	_ = 	snop  }
0x3c: {  	p2 =	seq.s32 s10, $0x1;
	s10 =	sld [smem:$0x3FB4]  }
0x3d: {  	_ =	shalt  }
0x3e: {  	_ =	shalt  }
0x3f: {  	_ =	shalt  }
0x40: {  	_ =	shalt  }
0x41: {  	_ =	shalt  }
0x42: {  	_ =	shalt  }
0x43: {  	_ =	shalt  }
0x44: {  	_ =	shalt  }
0x45: {  	_ =	shalt  }
0x46: {  	_ =	shalt  }
0x47: {  	_ =	shalt  }
0x48: {  	_ =	shalt  }
0x49: {  	_ =	shalt  }
0x4a: {  	_ =	shalt  }
0x4b: {  	_ =	shalt  }
0x4c: {  	_ =	shalt  }
0x4d: {  	_ =	shalt  }
0x4e: {  	_ =	shalt  }
0x4f: {  	_ =	shalt  }
0x50: {  	_ =	shalt  }
0x51: {  	_ =	shalt  }
0x52: {  	_ =	shalt  }
0x53: {  	_ =	shalt  }
0x54: {  	_ =	shalt  }
0x55: {  	_ =	shalt  }
0x56: {  	_ =	shalt  }
0x57: {  	_ =	shalt  }
0x58: {  	_ =	shalt  }
0x59: {  	_ =	shalt  }
0x5a: {  	_ =	shalt  }
0x5b: {  	_ =	shalt  }
0x5c: {  	_ =	shalt  }
0x5d: {  	_ =	shalt  }
0x5e: {  	_ =	shalt  }
0x5f: {  	_ =	shalt  }
0x60: {  	_ =	shalt  }
0x61: {  	_ =	shalt  }
0x62: {  	_ =	shalt  }
0x63: {  	_ =	shalt  }
0x64: {  	_ =	shalt  }
0x65: {  	_ =	shalt  }
0x66: {  	_ =	shalt  }
0x67: {  	_ =	shalt  }
0x68: {  	_ =	shalt  }
0x69: {  	_ =	shalt  }
0x6a: {  	_ =	shalt  }
0x6b: {  	_ =	shalt  }
0x6c: {  	_ =	shalt  }
0x6d: {  	_ =	shalt  }
0x6e: {  	_ =	shalt  }
0x6f: {  	_ =	shalt  }
0x70: {  	_ =	shalt  }
0x71: {  	_ =	shalt  }
0x72: {  	_ =	shalt  }
0x73: {  	_ =	shalt  }
0x74: {  	_ =	shalt  }
0x75: {  	_ =	shalt  }
0x76: {  	_ =	shalt  }
0x77: {  	_ =	shalt  }
0x78: {  	_ =	shalt  }
0x79: {  	_ =	shalt  }
0x7a: {  	_ =	shalt  }
0x7b: {  	_ =	shalt  }
0x7c: {  	_ =	shalt  }
0x7d: {  	_ =	shalt  }
0x7e: {  	_ =	shalt  }
0x7f: {  	_ =	shalt  }
0x80: {  	_ =	shalt  }
0x81: {  	_ =	shalt  }
0x82: {  	_ =	shalt  }
0x83: {  	_ =	shalt  }
0x84: {  	_ =	shalt  }
0x85: {  	_ =	shalt  }
0x86: {  	_ =	shalt  }
0x87: {  	_ =	shalt  }
.Lfunc_end0:
.L_simem_size_0:
called_computation.2_lowered:
.L_overlay_start_0:
0x88: {  	s2 =	sld [smem:$0x3FD9]  }
0x89: {  	s3 =	sld [smem:$0x3FFE];
	_ =	sdelay $0x1  }
0x8a: {  	s1 =	srdreg.scid  }
0x8b: {  	s0 =	sand.u32 $0x1, s1  }
0x8c: {  	s17 =	sshll.u32 s0, $0xA;
	s2 =	sadd.s32 s3, s2  }
0x8d: {  	s2 =	sadd.s32 s2, s17  }
0x8e: {  	[smem:$0x3FC0] =	sst s2  }
0x8f: {  	_ = 	snop  }
0x90: {  	s2 =	sld [smem:$0x3FD0];
	(tm) =	ssettm $0x1  }
0x91: {  	s18 =	sld [smem:$0x3FFB];
	_ =	sdelay $0x3  }
0x92: {  	_ =	strace s18  }
0x93: {  	s3 =	sld [smem:$0x3FFC];
	_ =	sdelay $0x3  }
0x94: {  	_ =	strace s3  }
0x95: {  	s3 =	sld [smem:$0x3FFD];
	_ =	sdelay $0x3  }
0x96: {  	_ =	strace s3  }
0x97: {  	_ =	strace $0x8FFFFFFF  }
0x98: {  	s19 =	sld [smem:$0x3FDB];
	_ =	sdelay $0x1  }
0x99: {  	s4 =	simm.s32 $_scs_section_size  }
0x9a: {  	s5 =	simm.s32 $_size__tile_overlayer_lowered;
	s6 =	simm.s32 $_tile_overlayer_lowered  }
0x9b: {  	s22 =	simm.s32 $0x1BFF;
	s21 =	sshll.u32 s6, $0x1;
	s3 =	sadd.s32 s4, s19  }
0x9c: {  	s7 =	simm.s32 $0x0;
	s20 =	sshll.u32 s5, $0x1;
	s5 =	sadd.s32 s21, s3  }
0x9d: {  	[timem:s7], [sflag:s22] =	dma.local [hbm:s5], s20  }
0x9e: {  	_ =	swait.ge [sflag:s22], s20  }
0x9f: {  	s4 =	ssub.s32 $0x0, s20;
	[sflag:s22] =	ssyncset.done $0x0  }
0xa0: {  	[sflag:s22] =	ssyncadd.s32 s4;
	_ =	sdelay $0x1  }
0xa1: {  	s23 =	simm.s32 $0x1B8B  }
0xa2: {  	_ =	swait.ge [sflag:s23], $0x1  }
0xa3: {  	[sflag:s23] =	ssyncset.done $0x0  }
0xa4: {  	s25 =	simm.s32 $0x1B8E;
	s24 =	sld [smem:$0x3FFE];
	[sflag:s23] =	ssyncadd.s32 $0xFFFFFFFF  }
0xa5: {  	s26 =	simm.s32 $execute0_lowered;
	[smem:$0x3FD2] =	sst s25  }
0xa6: {  	s5 =	sshll.u32 s26, $0x1;
	_ =	strace $0x8000004C;
	[dreg:$0x1] =	wrdreg $0xFFFFFFFF  }
0xa7: {  	s28 =	simm.s32 $_size_execute0_lowered;
	s3 =	sadd.s32 s3, s5;
	[dreg:$0x0] =	wrdreg $0x0  }
0xa8: {  	s5 =	sshll.u32 s28, $0x1;
	[dreg:$0x2] =	wrdreg s3  }
0xa9: {  	[dreg:$0x3] =	wrdreg s5  }
0xaa: {  	[dreg:$0x4] =	wrdreg $0xC0  }
0xab: {  	_ =	task [dreg:s7], $0x5FFFF  }
0xac: {  	[dreg:$0x1] =	wrdreg $0xFFFFFFFF  }
0xad: {  	[dreg:$0x0] =	wrdreg $0x60  }
0xae: {  	[dreg:$0x2] =	wrdreg s24  }
0xaf: {  	[dreg:$0x3] =	wrdreg s2  }
0xb0: {  	[dreg:$0x4] =	wrdreg $0xB7800  }
0xb1: {  	[dreg:$0x5] =	wrdreg $0x9  }
0xb2: {  	_ =	task.clear_ibuf [dreg:s7], $0x6FFFF;
	_ =	strace $0x9000004C  }
0xb3: {  	s29 =	simm.s32 $0x9;
	_ =	strace $0x8000004E  }
0xb4: {  	_ =	swait.ge [sflag:s29], $0x1  }
0xb5: {  	[sflag:s29] =	ssyncadd.s32 $0xFFFFFFFF  }
0xb6: {  	_ =	strace $0x9000004E  }
0xb7: {  	_ =	sfence  }
0xb8: {  	s30 =	sld [smem:$0x0];
	_ =	sdelay $0x2  }
0xb9: {  	s31 =	sshll.u32 s1, $0xD;
	s1 =	sshrl.u32 s1, $0x2  }
0xba: {  	s3 =	sand.u32 $0x4000, s31;
	s1 =	sadd.s32 s1, s30  }
0xbb: {  	s0 =	sor.u32 s3, s0;
	s1 =	sshll.u32 s1, $0x11  }
0xbc: {  	s0 =	sor.u32 s1, s0  }
0xbd: {  	s0 =	sadd.s32 $0x8F2B, s0  }
0xbe: {  	[sflag:s0] =	ssyncadd.remote.s32 $0x1  }
0xbf: {  	_ =	sfence.sel $0xFFFF  }
0xc0: {  	[dreg:$0x0] =	wrdreg $0xFFFFFFFF;
	(pc) =	sbr.abs _section_cstart, $3  }
0xc1: {  	[dreg:$0x1] =	wrdreg $0xFFFFFFFF  }
0xc2: {  	_ =	task.clear_ibuf [dreg:s7], $0x2FFFF;
	_ =	strace $0x9FFFFFFF  }
0xc3: {  	(tm) =	ssettm $0x7FFFFFFF  }
tec
execute0_lowered:
.L_overlay_start_1:
0x0: {  	(tag) =	ssettag $0x1  }
0x1: {  	s5 =	rddreg [dreg:$0x0]  }
0x2: {  	s6 =	rddreg [dreg:$0x1]  }
0x3: {  	s2 =	rddreg [dreg:$0x2]  }
0x4: {  	s0 =	rddreg [dreg:$0x3];
	s4 =	srdreg.scid  }
0x5: {  	s1 =	stileid.u32;
	s3 =	simm.s32 $0x0;
	s17 =	simm.s32 $0x2780  }
0x6: {  	s18 =	simm.s32 $0x6780;
	s19 =	simm.s32 $0x3;
	s20 =	simm.s32 $0x1  }
0x7: {  	s21 =	simm.s32 $0x2;
	s22 =	simm.s32 $0x50;
	s23 =	simm.s32 $0x8F80  }
0x8: {  	s24 =	simm.s32 $0x6580;
	s25 =	simm.s32 $0x0;
	s8 =	smul.u32 $0x280, s1  }
0x9: {  	s7 =	sand.u32 $0x1, s4;
	[smem:$0x7FF] =	sst s3;
	s29 =	smul.u32 $0x50000, s1  }
0xa: {  	s28 =	sshll.u32 s1, $0x1;
	s4 =	sadd.s32 $0x15E00, s5;
	s9 =	smul.u32 $0x2800, s7  }
0xb: {  	_ =	strace $0x8000004D;
	s10 =	sor.u32 s7, s28;
	s7 =	ssub.s32 $0x2, s7  }
0xc: {  	s11 =	smul.u32 $0x4E2, s10;
	s30 =	sshrl.u32 s7, $0x1;
	s31 =	sshll.u32 s10, $0xB  }
0xd: {  	s8 =	sadd.s32 s8, s9;
	s12 =	ssub.s32 s7, s30;
	s9 =	sshrl.u32 s29, $0x2  }
0xe: {  	s6 =	sadd.s32 s6, s31;
	s8 =	sshll.u32 s8, $0x4;
	s11 =	sadd.s32 s11, s5  }
0xf: {  	s7 =	sadd.s32 s9, s2;
	s9 =	smax.u32 s12, $0x1;
	s8 =	sadd.s32 s8, s5  }
0x10: {  	s5 =	sadd.s32 $0xC000, s11;
	s10 =	sadd.s32 $0x2800, s7;
	s11 =	sadd.s32 $0x5000, s7  }
0x11: {  	s12 =	sadd.s32 $0x7800, s7;
	s13 =	sadd.s32 $0xA000, s7;
	s14 =	sadd.s32 $0xC800, s7  }
0x12: {  	v0 =	vimm.f32 $0.0e+00;
	s15 =	sadd.s32 $0xF000, s7;
	s16 =	sadd.s32 $0x11800, s7;
	s8 =	sadd.s32 $0x3D000, s8  }
.LBB2_1:
0x13: {  	[tilespmem:s3], [sflag:$0x1] =	stream.linear.gather [hbm4b:s5+s3], $0x2710, $0x38;
	[tilespmem:$0x1F780] =	vst v63  }
0x14: {  	s26 =	simm.s32 $0x70;
	s28 =	simm.s32 $0x3C0  }
0x15: {  	[tilespmem:s17], [sflag:$0x2] =	stream.linear.gather [hbm4b:s6+s3], $0x3E80, $0x38;
	[tilespmem:$0x1F780] =	vst v63  }
.LBB2_2:
0x16: {  	p0 =	sne.s32 s28, $0x9FC0;
	[tilespmem:s26+$0x6780] =	vst v0  }
0x17: {  	[tilespmem:s26+$0x6710] =	vst v0  }
0x18: {  	[tilespmem:s26+$0x6720] =	vst v0  }
.Ltmp0:
0x19: {  	[tilespmem:s26+$0x6730] =	vst v0;
	(pc) =	sbr.rel @p0 .LBB2_2-.Ltmp0, $4  }
0x1a: {  	[tilespmem:s26+$0x6740] =	vst v0  }
0x1b: {  	[tilespmem:s26+$0x6750] =	vst v0  }
0x1c: {  	[tilespmem:s26+$0x6760] =	vst v0  }
0x1d: {  	[tilespmem:s26+$0x6770] =	vst v0;
	s26 =	sshra.s32 s28, $0x2;
	s28 =	sadd.s32 $0x200, s28  }
0x1e: {  	[tilespmem:s26+$0x6780] =	vst v0  }
0x1f: {  	[tilespmem:s26+$0x6710] =	vst v0  }
0x20: {  	[tilespmem:s26+$0x6720] =	vst v0  }
0x21: {  	[tilespmem:s26+$0x6730] =	vst v0  }
0x22: {  	[tilespmem:s26+$0x6740] =	vst v0  }
0x23: {  	[tilespmem:s26+$0x6750] =	vst v0  }
0x24: {  	[tilespmem:s26+$0x6760] =	vst v0  }
0x25: {  	[tilespmem:s26+$0x6770] =	vst v0  }
0x26: {  	[spmem:s7] =	stream.linear.scatter [tilespmem:s18], [sflag:$0x3], $0x2800, $0x38;
	[tilespmem:$0x1F780] =	vst v63  }
0x27: {  	_ =	swait.ge [sflag:s19], $0x2800  }
0x28: {  	[sflag:s19] =	ssyncset.done $0x0  }
0x29: {  	[sflag:s19] =	ssyncadd.s32 $0xFFFFD800  }
0x2a: {  	[spmem:s10] =	stream.linear.scatter [tilespmem:s18], [sflag:$0x3], $0x2800, $0x38;
	[tilespmem:$0x1F780] =	vst v63  }
0x2b: {  	_ =	swait.ge [sflag:s19], $0x2800  }
0x2c: {  	[sflag:s19] =	ssyncset.done $0x0  }
0x2d: {  	[sflag:s19] =	ssyncadd.s32 $0xFFFFD800  }
0x2e: {  	[spmem:s11] =	stream.linear.scatter [tilespmem:s18], [sflag:$0x3], $0x2800, $0x38;
	[tilespmem:$0x1F780] =	vst v63  }
0x2f: {  	_ =	swait.ge [sflag:s19], $0x2800  }
0x30: {  	[sflag:s19] =	ssyncset.done $0x0  }
0x31: {  	[sflag:s19] =	ssyncadd.s32 $0xFFFFD800  }
0x32: {  	[spmem:s12] =	stream.linear.scatter [tilespmem:s18], [sflag:$0x3], $0x2800, $0x38;
	[tilespmem:$0x1F780] =	vst v63  }
0x33: {  	_ =	swait.ge [sflag:s19], $0x2800  }
0x34: {  	[sflag:s19] =	ssyncset.done $0x0  }
0x35: {  	[sflag:s19] =	ssyncadd.s32 $0xFFFFD800  }
0x36: {  	[spmem:s13] =	stream.linear.scatter [tilespmem:s18], [sflag:$0x3], $0x2800, $0x38;
	[tilespmem:$0x1F780] =	vst v63  }
0x37: {  	_ =	swait.ge [sflag:s19], $0x2800  }
0x38: {  	[sflag:s19] =	ssyncset.done $0x0  }
0x39: {  	[sflag:s19] =	ssyncadd.s32 $0xFFFFD800  }
0x3a: {  	[spmem:s14] =	stream.linear.scatter [tilespmem:s18], [sflag:$0x3], $0x2800, $0x38;
	[tilespmem:$0x1F780] =	vst v63  }
0x3b: {  	_ =	swait.ge [sflag:s19], $0x2800  }
0x3c: {  	[sflag:s19] =	ssyncset.done $0x0  }
0x3d: {  	[sflag:s19] =	ssyncadd.s32 $0xFFFFD800  }
0x3e: {  	[spmem:s15] =	stream.linear.scatter [tilespmem:s18], [sflag:$0x3], $0x2800, $0x38;
	[tilespmem:$0x1F780] =	vst v63  }
0x3f: {  	_ =	swait.ge [sflag:s19], $0x2800  }
0x40: {  	[sflag:s19] =	ssyncset.done $0x0  }
0x41: {  	[sflag:s19] =	ssyncadd.s32 $0xFFFFD800  }
0x42: {  	[spmem:s16] =	stream.linear.scatter [tilespmem:s18], [sflag:$0x3], $0x2800, $0x38;
	[tilespmem:$0x1F780] =	vst v63  }
0x43: {  	_ =	swait.ge [sflag:s19], $0x2800  }
0x44: {  	[sflag:s19] =	ssyncset.done $0x0  }
0x45: {  	[sflag:s19] =	ssyncadd.s32 $0xFFFFD800  }
0x46: {  	_ =	swait.ge [sflag:s20], $0x2710  }
0x47: {  	[sflag:s20] =	ssyncset.done $0x0  }
0x48: {  	[sflag:s20] =	ssyncadd.s32 $0xFFFFD8F0  }
0x49: {  	_ =	swait.ge [sflag:s21], $0x3E80  }
0x4a: {  	[sflag:s21] =	ssyncset.done $0x0  }
0x4b: {  	[sflag:s21] =	ssyncadd.s32 $0xFFFFC180  }
0x4c: {  	s31 =	simm.s32 $0x0;
	[bflag:$0x0] =	sbarrier.arrive $0xFFFF  }
0x4d: {  	[tilespmem:s18], [sflag:$0x1] =	stream.indirect.gather [hbm4b:s4+s22], $0x80, s31, s22, $0xb8;
	[tilespmem:$0x1F780] =	vst v63  }
0x4e: {  	s30 =	simm.s32 $0x50  }
0x4f: {  	[tilespmem:s23], [sflag:$0x2] =	stream.indirect.gather [hbm4b:s4+s22], $0x80, s30, s22, $0xb8;
	[tilespmem:$0x1F780] =	vst v63  }
0x50: {  	_ =	swait.ge [sflag:s20], $0x2800  }
0x51: {  	[sflag:s20] =	ssyncset.done $0x0  }
0x52: {  	s31 =	simm.s32 $0x2780;
	[sflag:s20] =	ssyncadd.s32 $0xFFFFD800  }
0x53: {  	[spmem:s2] =	stream.indirect.scatter.add.f32 [tilespmem:s18], [sflag:$0x3], $0x80, s31, s22, $0xb8;
	[tilespmem:$0x1F780] =	vst v63  }
0x54: {  	_ =	swait.ge [sflag:s19], $0x2800  }
0x55: {  	[sflag:s19] =	ssyncset.done $0x0  }
0x56: {  	s30 =	simm.s32 $0xA0;
	[sflag:s19] =	ssyncadd.s32 $0xFFFFD800  }
0x57: {  	[tilespmem:s18], [sflag:$0x1] =	stream.indirect.gather [hbm4b:s4+s22], $0x80, s30, s22, $0xb8;
	[tilespmem:$0x1F780] =	vst v63  }
0x58: {  	_ =	swait.ge [sflag:s21], $0x2800  }
0x59: {  	[sflag:s21] =	ssyncset.done $0x0  }
0x5a: {  	s31 =	simm.s32 $0x2800;
	[sflag:s21] =	ssyncadd.s32 $0xFFFFD800  }
0x5b: {  	[spmem:s2] =	stream.indirect.scatter.add.f32 [tilespmem:s23], [sflag:$0x3], $0x80, s31, s22, $0xb8;
	[tilespmem:$0x1F780] =	vst v63  }
0x5c: {  	s28 =	simm.s32 $0x400;
	_ =	swait.ge [sflag:s19], $0x2800  }
0x5d: {  	s29 =	simm.s32 $0x800;
	s26 =	simm.s32 $0x140;
	[sflag:s19] =	ssyncset.done $0x0  }
.LBB2_4:
0x5e: {  	p0 =	sne.s32 s29, $0xF400;
	s30 =	sadd.s32 $0xFFFFFFB0, s26;
	[sflag:s19] =	ssyncadd.s32 $0xFFFFD800  }
0x5f: {  	[tilespmem:s23], [sflag:$0x2] =	stream.indirect.gather [hbm4b:s4+s22], $0x80, s30, s22, $0xb8;
	[tilespmem:$0x1F780] =	vst v63  }
0x60: {  	s30 =	smov.u32 s29;
	s29 =	sadd.s32 $0x400, s29;
	_ =	swait.ge [sflag:s20], $0x2800  }
0x61: {  	s31 =	sshra.s32 s28, $0x2;
	s28 =	smov.u32 s30;
	[sflag:s20] =	ssyncset.done $0x0  }
0x62: {  	s30 =	sadd.s32 $0x2780, s31;
	[sflag:s20] =	ssyncadd.s32 $0xFFFFD800  }
0x63: {  	[spmem:s2] =	stream.indirect.scatter.add.f32 [tilespmem:s18], [sflag:$0x3], $0x80, s30, s22, $0xb8;
	[tilespmem:$0x1F780] =	vst v63  }
0x64: {  	_ =	swait.ge [sflag:s19], $0x2800  }
0x65: {  	[sflag:s19] =	ssyncset.done $0x0  }
0x66: {  	[sflag:s19] =	ssyncadd.s32 $0xFFFFD800  }
0x67: {  	[tilespmem:s18], [sflag:$0x1] =	stream.indirect.gather [hbm4b:s4+s22], $0x80, s26, s22, $0xb8;
	[tilespmem:$0x1F780] =	vst v63  }
0x68: {  	_ =	swait.ge [sflag:s21], $0x2800  }
.Ltmp1:
0x69: {  	[sflag:s21] =	ssyncset.done $0x0;
	(pc) =	sbr.rel @p0 .LBB2_4-.Ltmp1, $4  }
0x6a: {  	s30 =	sadd.s32 $0x2800, s31;
	[sflag:s21] =	ssyncadd.s32 $0xFFFFD800  }
0x6b: {  	[spmem:s2] =	stream.indirect.scatter.add.f32 [tilespmem:s23], [sflag:$0x3], $0x80, s30, s22, $0xb8;
	[tilespmem:$0x1F780] =	vst v63  }
0x6c: {  	_ =	swait.ge [sflag:s19], $0x2800  }
0x6d: {  	s26 =	sadd.s32 $0xA0, s26;
	[sflag:s19] =	ssyncset.done $0x0  }
0x6e: {  	s29 =	sadd.s32 $0xFFFFFFB0, s26;
	[sflag:s19] =	ssyncadd.s32 $0xFFFFD800  }
0x6f: {  	[tilespmem:s23], [sflag:$0x2] =	stream.indirect.gather [hbm4b:s4+s22], $0x80, s29, s22, $0xb8;
	[tilespmem:$0x1F780] =	vst v63  }
0x70: {  	_ =	swait.ge [sflag:s20], $0x2800  }
0x71: {  	s28 =	sshra.s32 s28, $0x2;
	[sflag:s20] =	ssyncset.done $0x0  }
0x72: {  	s31 =	sadd.s32 $0x2780, s28;
	[sflag:s20] =	ssyncadd.s32 $0xFFFFD800  }
0x73: {  	[spmem:s2] =	stream.indirect.scatter.add.f32 [tilespmem:s18], [sflag:$0x3], $0x80, s31, s22, $0xb8;
	[tilespmem:$0x1F780] =	vst v63  }
0x74: {  	_ =	swait.ge [sflag:s19], $0x2800  }
0x75: {  	[sflag:s19] =	ssyncset.done $0x0  }
0x76: {  	[sflag:s19] =	ssyncadd.s32 $0xFFFFD800  }
0x77: {  	[tilespmem:s18], [sflag:$0x1] =	stream.indirect.gather [hbm4b:s4+s22], $0x80, s26, s22, $0xb8;
	[tilespmem:$0x1F780] =	vst v63  }
0x78: {  	_ =	swait.ge [sflag:s21], $0x2800  }
0x79: {  	[sflag:s21] =	ssyncset.done $0x0  }
0x7a: {  	s29 =	sadd.s32 $0x2800, s28;
	[sflag:s21] =	ssyncadd.s32 $0xFFFFD800  }
0x7b: {  	[spmem:s2] =	stream.indirect.scatter.add.f32 [tilespmem:s23], [sflag:$0x3], $0x80, s29, s22, $0xb8;
	[tilespmem:$0x1F780] =	vst v63  }
0x7c: {  	_ =	swait.ge [sflag:s19], $0x2800  }
0x7d: {  	[sflag:s19] =	ssyncset.done $0x0  }
0x7e: {  	[sflag:s19] =	ssyncadd.s32 $0xFFFFD800  }
0x7f: {  	_ =	swait.ge [sflag:s20], $0x2800  }
0x80: {  	[sflag:s20] =	ssyncset.done $0x0  }
0x81: {  	[sflag:s20] =	ssyncadd.s32 $0xFFFFD800  }
0x82: {  	[spmem:s2] =	stream.indirect.scatter.add.f32 [tilespmem:s18], [sflag:$0x3], $0x80, s24, s22, $0xb8;
	[tilespmem:$0x1F780] =	vst v63  }
0x83: {  	_ =	swait.ge [sflag:s19], $0x2800  }
0x84: {  	s30 =	sshll.u32 s1, $0x6;
	s25 =	sadd.s32 $0x1, s25;
	[sflag:s19] =	ssyncset.done $0x0  }
0x85: {  	p0 =	sne.s32 s25, s9;
	s31 =	sshrl.u32 s7, $0x3;
	[sflag:s19] =	ssyncadd.s32 $0xFFFFD800  }
.Ltmp2:
0x86: {  	s26 =	sor.u32 $0x1C03, s30;
	[bflag:$0x0] =	sbarrier.arrive $0xFFFF;
	(pc) =	sbr.rel @p0 .LBB2_1-.Ltmp2, $4  }
0x87: {  	[hbm:s8], [sflag:s26] =	dma.local [spmem:s31], $0x2800  }
0x88: {  	_ =	swait.ge [sflag:s19], $0x2800  }
0x89: {  	[sflag:s19] =	ssyncset.done $0x0  }
0x8a: {  	[sflag:s19] =	ssyncadd.s32 $0xFFFFD800  }
0x8b: {  	_ =	sfence.sel $0x180000  }
0x8c: {  	[bflag:$0x0] =	sbarrier.arrive $0xFFFF  }
0x8d: {  	p0 =	sne.s32 s1, $0x0;
	_ =	strace $0x9000004D  }
0x8e: {  	s0 =	sadd.s32 @!p0 $0x100000, s0;
	[bflag:$0x2] =	sbarrier.arrive $0xFFFF  }
0x8f: {  	[sflag:s0] =	ssyncadd.tile.s32 @!p0 $0x1;
	_ =	shalt  }
.Lfunc_end2:
_tile_overlayer_lowered:
.L_overlay_start_2:
0x90: {  	(tag) =	ssettag $0x2  }
0x91: {  	s0 =	rddreg [dreg:$0x0];
	s2 =	stileid.u32  }
0x92: {  	s1 =	rddreg [dreg:$0x1];
	p0 =	sne.s32 s2, $0x0  }
0x93: {  	s3 =	rddreg [dreg:$0x2];
	[bflag:$0x3] =	sbarrier.arrive $0xFFFF;
	s2 =	simm.s32 @!p0 $0x1C03  }
0x94: {  	[timem:s3], [sflag:s2] =	dma.local @!p0 [hbm:s0], s1  }
0x95: {  	s0 =	simm.s32 @!p0 $0x3  }
0x96: {  	_ =	swait.ge @!p0 [sflag:s0], s1  }
0x97: {  	s1 =	ssub.s32 @!p0 $0x0, s1;
	[sflag:s0] =	ssyncset.done @!p0 $0x0  }
0x98: {  	[sflag:s0] =	ssyncadd.s32 @!p0 s1  }
0x99: {  	[bflag:$0x3] =	sbarrier.arrive $0xFFFF  }
0x9a: {  	_ =	shalt  }

// kernel: kernel.9.cloned.1.call-start
scs
__scs_entry_jumppad:
0x0: {  	(pc) =	sbr.rel $0x88, $3  }
0x1: {  	(tag) =	ssettag $0x0;
	lr =	simm.s32 $0x1  }
0x2: {  	[smem:$0x3F99] =	sst lr;
	_ =	strace $0xD0000000  }
0x3: {  	_ = 	snop  }
0x4: {  	_ = 	snop  }
0x5: {  	_ = 	snop  }
0x6: {  	_ = 	snop  }
0x7: {  	_ = 	snop  }
__scs_overlays_trampoline_lowered:
0x8: {  	[smem:$0x3FA8] =	sst s0  }
0x9: {  	[smem:$0x3FA9] =	sst s1  }
0xa: {  	[smem:$0x3FAA] =	sst s2  }
0xb: {  	[smem:$0x3FAB] =	sst s3  }
0xc: {  	[smem:$0x3FAC] =	sst s4  }
0xd: {  	[smem:$0x3FAD] =	sst s5  }
0xe: {  	[smem:$0x3FAE] =	sst s6  }
0xf: {  	[smem:$0x3FAF] =	sst s7  }
0x10: {  	[smem:$0x3FB0] =	sst s8  }
0x11: {  	[smem:$0x3FB1] =	sst s9;
	s0 =	simm.s32 @!p0 $0x0  }
0x12: {  	s1 =	sld [smem:$0x3F97];
	s0 =	simm.s32 @p0 $0x1  }
0x13: {  	[smem:$0x3FB2] =	sst s0;
	s0 =	simm.s32 @!p1 $0x0  }
0x14: {  	s2 =	sld [smem:$0x3F96];
	s0 =	simm.s32 @p1 $0x1  }
0x15: {  	[smem:$0x3FB3] =	sst s0;
	s0 =	simm.s32 @!p2 $0x0  }
0x16: {  	s3 =	sld [smem:$0x3FDB];
	s0 =	simm.s32 @p2 $0x1  }
0x17: {  	s4 =	simm.s32 $0x1BF5;
	[smem:$0x3FB5] =	sst s0  }
0x18: {  	s0 =	sld [smem:$0x3F98];
	_ =	swait.ge [sflag:s4], $0x0  }
0x19: {  	s7 =	sld [smem:$0x3F99]  }
0x1a: {  	s8 =	sadd.s32 $0xFFFFE003, lr  }
0x1b: {  	s9 =	sadd.s32 $0xFFFFFEF7, lr;
	s5 =	simm.s32 $0xFFFFFFFF;
	p2 =	slt.u32 s8, $0xFFFFF086  }
0x1c: {  	p1 =	slt.u32 s9, $0xF7A;
	s5 =	simm.s32 @!p2 $0x0  }
0x1d: {  	s5 =	simm.s32 @p1 $0x1;
	p0 =	seq.s32 s7, s2  }
0x1e: {  	s7 =	smul.u32 @!p0 $0xF7A, s2;
	p2 =	seq.s32 @!p0 s5, $0x0  }
0x1f: {  	s9 =	smul.u32 $0xF7A, s1;
	s8 =	simm.s32 @!p0 $0x1BF5;
	p2 =	por !p2, p0  }
0x20: {  	[sflag:s8] =	ssyncset.s32 @!p0 $0xFFFFF086;
	s6 =	sadd.s32 @!p0 s3, s7;
	s7 =	simm.s32 @!p0 $0x108  }
0x21: {  	s3 =	sadd.s32 s3, s9;
	s6 =	sadd.s32 @!p0 $0x88, s6;
	s7 =	simm.s32 @p2 $0x1082  }
0x22: {  	[simem:s7], [sflag:s8] =	dma.local @!p0 [hbm:s6], $0xF7A  }
0x23: {  	s9 =	sor.u32 $0xD0000000, s2;
	s6 =	simm.s32 $0x108;
	_ =	swait.ge @!p0 [sflag:s8], $0x0  }
0x24: {  	s3 =	sadd.s32 $0x88, s3;
	s6 =	simm.s32 @!p1 $0x1082;
	[sflag:s4] =	ssyncset.s32 $0xFFFFF086  }
0x25: {  	[simem:s6], [sflag:s4] =	dma.local [hbm:s3], $0xF7A  }
0x26: {  	[smem:$0x3F99] =	sst s1;
	(tag) =	ssettag s2;
	_ =	strace s9  }
0x27: {  	s1 =	sld [smem:$0x3FA9]  }
0x28: {  	s2 =	sld [smem:$0x3FAA]  }
0x29: {  	s4 =	sld [smem:$0x3FAC]  }
0x2a: {  	p0 =	seq.s32 s5, $0x0;
	s5 =	sld [smem:$0x3FAD]  }
0x2b: {  	s6 =	sld [smem:$0x3FAE]  }
0x2c: {  	s7 =	sld [smem:$0x3FAF]  }
0x2d: {  	s3 =	simm.s32 $0x108;
	s8 =	sld [smem:$0x3FB0]  }
0x2e: {  	s3 =	simm.s32 @!p0 $0x1082;
	s9 =	sld [smem:$0x3FB1]  }
0x2f: {  	lr =	sadd.s32 s0, s3;
	s0 =	sld [smem:$0x3FA8]  }
0x30: {  	s3 =	sld [smem:$0x3FAB]  }
0x31: {  	[smem:$0x3FB4] =	sst s10  }
0x32: {  	s10 =	sld [smem:$0x3FB2];
	_ =	sdelay $0x3  }
0x33: {  	p0 =	seq.s32 s10, $0x1;
	s10 =	sld [smem:$0x3FB4];
	_ =	sdelay $0x3  }
0x34: {  	[smem:$0x3FB4] =	sst s10  }
0x35: {  	s10 =	sld [smem:$0x3FB3];
	_ =	sdelay $0x3  }
0x36: {  	p1 =	seq.s32 s10, $0x1;
	s10 =	sld [smem:$0x3FB4];
	_ =	sdelay $0x3  }
0x37: {  	[smem:$0x3FB4] =	sst s10  }
0x38: {  	s10 =	sld [smem:$0x3FB5]  }
0x39: {  	_ = 	snop;
	(pc) =	sbr.ind lr, $3  }
0x3a: {  	_ = 	snop  }
0x3b: {  	_ = 	snop  }
0x3c: {  	p2 =	seq.s32 s10, $0x1;
	s10 =	sld [smem:$0x3FB4]  }
0x3d: {  	_ =	shalt  }
0x3e: {  	_ =	shalt  }
0x3f: {  	_ =	shalt  }
0x40: {  	_ =	shalt  }
0x41: {  	_ =	shalt  }
0x42: {  	_ =	shalt  }
0x43: {  	_ =	shalt  }
0x44: {  	_ =	shalt  }
0x45: {  	_ =	shalt  }
0x46: {  	_ =	shalt  }
0x47: {  	_ =	shalt  }
0x48: {  	_ =	shalt  }
0x49: {  	_ =	shalt  }
0x4a: {  	_ =	shalt  }
0x4b: {  	_ =	shalt  }
0x4c: {  	_ =	shalt  }
0x4d: {  	_ =	shalt  }
0x4e: {  	_ =	shalt  }
0x4f: {  	_ =	shalt  }
0x50: {  	_ =	shalt  }
0x51: {  	_ =	shalt  }
0x52: {  	_ =	shalt  }
0x53: {  	_ =	shalt  }
0x54: {  	_ =	shalt  }
0x55: {  	_ =	shalt  }
0x56: {  	_ =	shalt  }
0x57: {  	_ =	shalt  }
0x58: {  	_ =	shalt  }
0x59: {  	_ =	shalt  }
0x5a: {  	_ =	shalt  }
0x5b: {  	_ =	shalt  }
0x5c: {  	_ =	shalt  }
0x5d: {  	_ =	shalt  }
0x5e: {  	_ =	shalt  }
0x5f: {  	_ =	shalt  }
0x60: {  	_ =	shalt  }
0x61: {  	_ =	shalt  }
0x62: {  	_ =	shalt  }
0x63: {  	_ =	shalt  }
0x64: {  	_ =	shalt  }
0x65: {  	_ =	shalt  }
0x66: {  	_ =	shalt  }
0x67: {  	_ =	shalt  }
0x68: {  	_ =	shalt  }
0x69: {  	_ =	shalt  }
0x6a: {  	_ =	shalt  }
0x6b: {  	_ =	shalt  }
0x6c: {  	_ =	shalt  }
0x6d: {  	_ =	shalt  }
0x6e: {  	_ =	shalt  }
0x6f: {  	_ =	shalt  }
0x70: {  	_ =	shalt  }
0x71: {  	_ =	shalt  }
0x72: {  	_ =	shalt  }
0x73: {  	_ =	shalt  }
0x74: {  	_ =	shalt  }
0x75: {  	_ =	shalt  }
0x76: {  	_ =	shalt  }
0x77: {  	_ =	shalt  }
0x78: {  	_ =	shalt  }
0x79: {  	_ =	shalt  }
0x7a: {  	_ =	shalt  }
0x7b: {  	_ =	shalt  }
0x7c: {  	_ =	shalt  }
0x7d: {  	_ =	shalt  }
0x7e: {  	_ =	shalt  }
0x7f: {  	_ =	shalt  }
0x80: {  	_ =	shalt  }
0x81: {  	_ =	shalt  }
0x82: {  	_ =	shalt  }
0x83: {  	_ =	shalt  }
0x84: {  	_ =	shalt  }
0x85: {  	_ =	shalt  }
0x86: {  	_ =	shalt  }
0x87: {  	_ =	shalt  }
.Lfunc_end0:
.L_simem_size_0:
called_computation_lowered:
.L_overlay_start_0:
0x88: {  	s2 =	sld [smem:$0x3FD9]  }
0x89: {  	s3 =	sld [smem:$0x3FFE];
	_ =	sdelay $0x1  }
0x8a: {  	s1 =	srdreg.scid  }
0x8b: {  	s0 =	sand.u32 $0x1, s1  }
0x8c: {  	s17 =	sshll.u32 s0, $0xA;
	s2 =	sadd.s32 s3, s2  }
0x8d: {  	s2 =	sadd.s32 s2, s17  }
0x8e: {  	[smem:$0x3FC0] =	sst s2  }
0x8f: {  	_ = 	snop  }
0x90: {  	s4 =	sld [smem:$0x3FC9]  }
0x91: {  	s18 =	sld [smem:$0x3FD0];
	(tm) =	ssettm $0x1  }
0x92: {  	s19 =	sld [smem:$0x3FFB];
	_ =	sdelay $0x3  }
0x93: {  	_ =	strace s19  }
0x94: {  	s2 =	sld [smem:$0x3FFC];
	_ =	sdelay $0x3  }
0x95: {  	_ =	strace s2  }
0x96: {  	s2 =	sld [smem:$0x3FFD];
	_ =	sdelay $0x3  }
0x97: {  	_ =	strace s2  }
0x98: {  	_ =	strace $0x8FFFFFFF  }
0x99: {  	s20 =	sld [smem:$0x3FDB];
	_ =	sdelay $0x1  }
0x9a: {  	s5 =	simm.s32 $_scs_section_size  }
0x9b: {  	s6 =	simm.s32 $_size__tile_overlayer_lowered;
	s7 =	simm.s32 $_tile_overlayer_lowered  }
0x9c: {  	s8 =	simm.s32 $0x1BFF;
	s21 =	sshll.u32 s7, $0x1;
	s5 =	sadd.s32 s5, s20  }
0x9d: {  	s22 =	simm.s32 $0x0;
	s6 =	sshll.u32 s6, $0x1;
	s7 =	sadd.s32 s21, s5  }
0x9e: {  	[timem:s22], [sflag:s8] =	dma.local [hbm:s7], s6  }
0x9f: {  	_ =	swait.ge [sflag:s8], s6  }
0xa0: {  	s6 =	ssub.s32 $0x0, s6;
	[sflag:s8] =	ssyncset.done $0x0  }
0xa1: {  	[sflag:s8] =	ssyncadd.s32 s6;
	_ =	sdelay $0x1  }
0xa2: {  	s23 =	simm.s32 $0x1B8B  }
0xa3: {  	_ =	swait.ge [sflag:s23], $0x1  }
0xa4: {  	[sflag:s23] =	ssyncset.done $0x0  }
0xa5: {  	[sflag:s23] =	ssyncadd.s32 $0xFFFFFFFF  }
0xa6: {  	s6 =	sld [smem:$0x0]  }
0xa7: {  	s7 =	sand.u32 $0xFFFFFFFE, s1  }
0xa8: {  	p0 =	sne.s32 s1, s7  }
0xa9: {  	s7 =	sshll.u32 @p0 s7, $0xE  }
0xaa: {  	s7 =	sadd.s32 @p0 $0x11B8D, s7;
	s8 =	sshll.u32 @p0 s6, $0x11  }
0xab: {  	s7 =	sor.u32 @p0 s8, s7  }
0xac: {  	[sflag:s7] =	ssyncadd.remote.s32 @p0 $0x1;
	_ =	sdelay $0x1  }
0xad: {  	s7 =	simm.s32 @p0 $0x1B8D  }
0xae: {  	_ =	swait.eq @p0 [sflag:s7], $0x1  }
0xaf: {  	[sflag:s7] =	ssyncadd.s32 @p0 $0xFFFFFFFF  }
0xb0: {  	s8 =	sshll.u32 @!p0 s1, $0xE  }
0xb1: {  	s8 =	sor.u32 @!p0 $0x4000, s8;
	s7 =	simm.s32 @!p0 $0x1B8D  }
0xb2: {  	s6 =	sshll.u32 @!p0 s6, $0x11;
	s8 =	sadd.s32 @!p0 $0x11B8D, s8;
	_ =	swait.eq @!p0 [sflag:s7], $0x1  }
0xb3: {  	s6 =	sor.u32 @!p0 s6, s8;
	[sflag:s7] =	ssyncadd.s32 @!p0 $0xFFFFFFFF  }
0xb4: {  	s25 =	simm.s32 $0x1B8E;
	s24 =	sld [smem:$0x3FFE];
	[sflag:s6] =	ssyncadd.remote.s32 @!p0 $0x1  }
0xb5: {  	s26 =	simm.s32 $execute0_lowered;
	[smem:$0x3FD2] =	sst s25  }
0xb6: {  	s7 =	sshll.u32 s26, $0x1;
	_ =	strace $0x80000049;
	[dreg:$0x1] =	wrdreg $0xFFFFFFFF  }
0xb7: {  	s28 =	simm.s32 $_size_execute0_lowered;
	s5 =	sadd.s32 s5, s7;
	[dreg:$0x0] =	wrdreg $0x0  }
0xb8: {  	s7 =	sshll.u32 s28, $0x1;
	[dreg:$0x2] =	wrdreg s5  }
0xb9: {  	[dreg:$0x3] =	wrdreg s7  }
0xba: {  	[dreg:$0x4] =	wrdreg $0xC0  }
0xbb: {  	_ =	task [dreg:s22], $0x5FFFF  }
0xbc: {  	[dreg:$0x1] =	wrdreg $0xFFFFFFFF  }
0xbd: {  	[dreg:$0x0] =	wrdreg $0x60  }
0xbe: {  	[dreg:$0x2] =	wrdreg s4  }
0xbf: {  	[dreg:$0x3] =	wrdreg s24  }
0xc0: {  	[dreg:$0x4] =	wrdreg s18  }
0xc1: {  	[dreg:$0x5] =	wrdreg $0xB7800  }
0xc2: {  	[dreg:$0x6] =	wrdreg $0x9  }
0xc3: {  	_ =	task.clear_ibuf [dreg:s22], $0x7FFFF;
	_ =	strace $0x90000049  }
0xc4: {  	s29 =	simm.s32 $0x9;
	_ =	strace $0x8000004B  }
0xc5: {  	_ =	swait.ge [sflag:s29], $0x1  }
0xc6: {  	[sflag:s29] =	ssyncadd.s32 $0xFFFFFFFF  }
0xc7: {  	_ =	strace $0x9000004B  }
0xc8: {  	_ =	sfence  }
0xc9: {  	s30 =	sld [smem:$0x0];
	_ =	sdelay $0x2  }
0xca: {  	s31 =	sshll.u32 s1, $0xD;
	s1 =	sshrl.u32 s1, $0x2  }
0xcb: {  	s4 =	sand.u32 $0x4000, s31;
	s1 =	sadd.s32 s1, s30  }
0xcc: {  	s0 =	sor.u32 s4, s0;
	s1 =	sshll.u32 s1, $0x11  }
0xcd: {  	s0 =	sor.u32 s1, s0  }
0xce: {  	s0 =	sadd.s32 $0x8F2B, s0  }
0xcf: {  	[sflag:s0] =	ssyncadd.remote.s32 $0x1  }
0xd0: {  	_ =	sfence.sel $0xFFFF  }
0xd1: {  	[dreg:$0x0] =	wrdreg $0xFFFFFFFF;
	(pc) =	sbr.abs _section_cstart, $3  }
0xd2: {  	[dreg:$0x1] =	wrdreg $0xFFFFFFFF  }
0xd3: {  	_ =	task.clear_ibuf [dreg:s22], $0x2FFFF;
	_ =	strace $0x9FFFFFFF  }
0xd4: {  	(tm) =	ssettm $0x7FFFFFFF  }
0xd5: {  	_ =	shalt  }
tec
execute0_lowered:
.L_overlay_start_1:
0x0: {  	(tag) =	ssettag $0x1  }
0x1: {  	s1 =	rddreg [dreg:$0x0]  }
0x2: {  	s5 =	rddreg [dreg:$0x1]  }
0x3: {  	s6 =	rddreg [dreg:$0x2]  }
0x4: {  	s3 =	rddreg [dreg:$0x3];
	s4 =	srdreg.scid  }
0x5: {  	s2 =	stileid.u32;
	s0 =	rddreg [dreg:$0x4];
	s17 =	simm.s32 $0x2780  }
0x6: {  	s18 =	simm.s32 $0x6780;
	s19 =	simm.s32 $0x3;
	s20 =	simm.s32 $0x1  }
0x7: {  	s21 =	simm.s32 $0x2;
	s22 =	simm.s32 $0x50;
	s23 =	simm.s32 $0x8F80  }
0x8: {  	s24 =	simm.s32 $0x6580;
	s25 =	simm.s32 $0x0;
	s8 =	smul.u32 $0x280, s2  }
0x9: {  	s7 =	sand.u32 $0x1, s4;
	s4 =	simm.s32 $0x0;
	s28 =	smul.u32 $0x50000, s2  }
0xa: {  	s9 =	sshll.u32 s2, $0x1;
	s10 =	smul.u32 $0x2800, s7;
	[smem:$0x7FF] =	sst s4  }
0xb: {  	s9 =	sor.u32 s7, s9;
	s7 =	ssub.s32 $0x2, s7;
	_ =	strace $0x8000004A  }
0xc: {  	s11 =	smul.u32 $0x4E2, s9;
	s29 =	sshrl.u32 s7, $0x1;
	s30 =	sshll.u32 s9, $0xB  }
0xd: {  	s31 =	sshrl.u32 s28, $0x2;
	s8 =	sadd.s32 s8, s10;
	s12 =	ssub.s32 s7, s29  }
0xe: {  	s6 =	sadd.s32 s6, s30;
	s7 =	sadd.s32 s31, s3;
	s8 =	sshll.u32 s8, $0x4  }
0xf: {  	s11 =	sadd.s32 s11, s5;
	s9 =	smax.u32 s12, $0x1;
	s10 =	sadd.s32 $0x2800, s7  }
0x10: {  	s12 =	sadd.s32 $0x7800, s7;
	s13 =	sadd.s32 $0xA000, s7;
	s14 =	sadd.s32 $0xC800, s7  }
0x11: {  	s15 =	sadd.s32 $0xF000, s7;
	s16 =	sadd.s32 $0x11800, s7;
	s8 =	sadd.s32 s8, s5  }
0x12: {  	v0 =	vimm.f32 $0.0e+00;
	s5 =	sadd.s32 $0xC000, s11;
	s11 =	sadd.s32 $0x5000, s7;
	s8 =	sadd.s32 $0x1FE00, s8  }
.LBB2_1:
0x13: {  	[tilespmem:s4], [sflag:$0x1] =	stream.linear.gather [hbm4b:s5+s4], $0x2710, $0x38;
	[tilespmem:$0x1F780] =	vst v63  }
0x14: {  	s26 =	simm.s32 $0x70;
	s28 =	simm.s32 $0x3C0  }
0x15: {  	[tilespmem:s17], [sflag:$0x2] =	stream.linear.gather [hbm4b:s6+s4], $0x3E80, $0x38;
	[tilespmem:$0x1F780] =	vst v63  }
.LBB2_2:
0x16: {  	p0 =	sne.s32 s28, $0x9FC0;
	[tilespmem:s26+$0x6780] =	vst v0  }
0x17: {  	[tilespmem:s26+$0x6710] =	vst v0  }
0x18: {  	[tilespmem:s26+$0x6720] =	vst v0  }
.Ltmp0:
0x19: {  	[tilespmem:s26+$0x6730] =	vst v0;
	(pc) =	sbr.rel @p0 .LBB2_2-.Ltmp0, $4  }
0x1a: {  	[tilespmem:s26+$0x6740] =	vst v0  }
0x1b: {  	[tilespmem:s26+$0x6750] =	vst v0  }
0x1c: {  	[tilespmem:s26+$0x6760] =	vst v0  }
0x1d: {  	[tilespmem:s26+$0x6770] =	vst v0;
	s26 =	sshra.s32 s28, $0x2;
	s28 =	sadd.s32 $0x200, s28  }
0x1e: {  	[tilespmem:s26+$0x6780] =	vst v0  }
0x1f: {  	[tilespmem:s26+$0x6710] =	vst v0  }
0x20: {  	[tilespmem:s26+$0x6720] =	vst v0  }
0x21: {  	[tilespmem:s26+$0x6730] =	vst v0  }
0x22: {  	[tilespmem:s26+$0x6740] =	vst v0  }
0x23: {  	[tilespmem:s26+$0x6750] =	vst v0  }
0x24: {  	[tilespmem:s26+$0x6760] =	vst v0  }
0x25: {  	[tilespmem:s26+$0x6770] =	vst v0  }
0x26: {  	[spmem:s7] =	stream.linear.scatter [tilespmem:s18], [sflag:$0x3], $0x2800, $0x38;
	[tilespmem:$0x1F780] =	vst v63  }
0x27: {  	_ =	swait.ge [sflag:s19], $0x2800  }
0x28: {  	[sflag:s19] =	ssyncset.done $0x0  }
0x29: {  	[sflag:s19] =	ssyncadd.s32 $0xFFFFD800  }
0x2a: {  	[spmem:s10] =	stream.linear.scatter [tilespmem:s18], [sflag:$0x3], $0x2800, $0x38;
	[tilespmem:$0x1F780] =	vst v63  }
0x2b: {  	_ =	swait.ge [sflag:s19], $0x2800  }
0x2c: {  	[sflag:s19] =	ssyncset.done $0x0  }
0x2d: {  	[sflag:s19] =	ssyncadd.s32 $0xFFFFD800  }
0x2e: {  	[spmem:s11] =	stream.linear.scatter [tilespmem:s18], [sflag:$0x3], $0x2800, $0x38;
	[tilespmem:$0x1F780] =	vst v63  }
0x2f: {  	_ =	swait.ge [sflag:s19], $0x2800  }
0x30: {  	[sflag:s19] =	ssyncset.done $0x0  }
0x31: {  	[sflag:s19] =	ssyncadd.s32 $0xFFFFD800  }
0x32: {  	[spmem:s12] =	stream.linear.scatter [tilespmem:s18], [sflag:$0x3], $0x2800, $0x38;
	[tilespmem:$0x1F780] =	vst v63  }
0x33: {  	_ =	swait.ge [sflag:s19], $0x2800  }
0x34: {  	[sflag:s19] =	ssyncset.done $0x0  }
0x35: {  	[sflag:s19] =	ssyncadd.s32 $0xFFFFD800  }
0x36: {  	[spmem:s13] =	stream.linear.scatter [tilespmem:s18], [sflag:$0x3], $0x2800, $0x38;
	[tilespmem:$0x1F780] =	vst v63  }
0x37: {  	_ =	swait.ge [sflag:s19], $0x2800  }
0x38: {  	[sflag:s19] =	ssyncset.done $0x0  }
0x39: {  	[sflag:s19] =	ssyncadd.s32 $0xFFFFD800  }
0x3a: {  	[spmem:s14] =	stream.linear.scatter [tilespmem:s18], [sflag:$0x3], $0x2800, $0x38;
	[tilespmem:$0x1F780] =	vst v63  }
0x3b: {  	_ =	swait.ge [sflag:s19], $0x2800  }
0x3c: {  	[sflag:s19] =	ssyncset.done $0x0  }
0x3d: {  	[sflag:s19] =	ssyncadd.s32 $0xFFFFD800  }
0x3e: {  	[spmem:s15] =	stream.linear.scatter [tilespmem:s18], [sflag:$0x3], $0x2800, $0x38;
	[tilespmem:$0x1F780] =	vst v63  }
0x3f: {  	_ =	swait.ge [sflag:s19], $0x2800  }
0x40: {  	[sflag:s19] =	ssyncset.done $0x0  }
0x41: {  	[sflag:s19] =	ssyncadd.s32 $0xFFFFD800  }
0x42: {  	[spmem:s16] =	stream.linear.scatter [tilespmem:s18], [sflag:$0x3], $0x2800, $0x38;
	[tilespmem:$0x1F780] =	vst v63  }
0x43: {  	_ =	swait.ge [sflag:s19], $0x2800  }
0x44: {  	[sflag:s19] =	ssyncset.done $0x0  }
0x45: {  	[sflag:s19] =	ssyncadd.s32 $0xFFFFD800  }
0x46: {  	_ =	swait.ge [sflag:s20], $0x2710  }
0x47: {  	[sflag:s20] =	ssyncset.done $0x0  }
0x48: {  	[sflag:s20] =	ssyncadd.s32 $0xFFFFD8F0  }
0x49: {  	_ =	swait.ge [sflag:s21], $0x3E80  }
0x4a: {  	[sflag:s21] =	ssyncset.done $0x0  }
0x4b: {  	[sflag:s21] =	ssyncadd.s32 $0xFFFFC180  }
0x4c: {  	s31 =	simm.s32 $0x0;
	[bflag:$0x0] =	sbarrier.arrive $0xFFFF  }
0x4d: {  	[tilespmem:s18], [sflag:$0x1] =	stream.indirect.gather [hbm4b:s1+s22], $0x80, s31, s22, $0xb8;
	[tilespmem:$0x1F780] =	vst v63  }
0x4e: {  	s30 =	simm.s32 $0x50  }
0x4f: {  	[tilespmem:s23], [sflag:$0x2] =	stream.indirect.gather [hbm4b:s1+s22], $0x80, s30, s22, $0xb8;
	[tilespmem:$0x1F780] =	vst v63  }
0x50: {  	_ =	swait.ge [sflag:s20], $0x2800  }
0x51: {  	[sflag:s20] =	ssyncset.done $0x0  }
0x52: {  	s31 =	simm.s32 $0x2780;
	[sflag:s20] =	ssyncadd.s32 $0xFFFFD800  }
0x53: {  	[spmem:s3] =	stream.indirect.scatter.add.f32 [tilespmem:s18], [sflag:$0x3], $0x80, s31, s22, $0xb8;
	[tilespmem:$0x1F780] =	vst v63  }
0x54: {  	_ =	swait.ge [sflag:s19], $0x2800  }
0x55: {  	[sflag:s19] =	ssyncset.done $0x0  }
0x56: {  	s30 =	simm.s32 $0xA0;
	[sflag:s19] =	ssyncadd.s32 $0xFFFFD800  }
0x57: {  	[tilespmem:s18], [sflag:$0x1] =	stream.indirect.gather [hbm4b:s1+s22], $0x80, s30, s22, $0xb8;
	[tilespmem:$0x1F780] =	vst v63  }
0x58: {  	_ =	swait.ge [sflag:s21], $0x2800  }
0x59: {  	[sflag:s21] =	ssyncset.done $0x0  }
0x5a: {  	s31 =	simm.s32 $0x2800;
	[sflag:s21] =	ssyncadd.s32 $0xFFFFD800  }
0x5b: {  	[spmem:s3] =	stream.indirect.scatter.add.f32 [tilespmem:s23], [sflag:$0x3], $0x80, s31, s22, $0xb8;
	[tilespmem:$0x1F780] =	vst v63  }
0x5c: {  	s28 =	simm.s32 $0x400;
	_ =	swait.ge [sflag:s19], $0x2800  }
0x5d: {  	s29 =	simm.s32 $0x800;
	s26 =	simm.s32 $0x140;
	[sflag:s19] =	ssyncset.done $0x0  }
.LBB2_4:
0x5e: {  	p0 =	sne.s32 s29, $0xF400;
	s30 =	sadd.s32 $0xFFFFFFB0, s26;
	[sflag:s19] =	ssyncadd.s32 $0xFFFFD800  }
0x5f: {  	[tilespmem:s23], [sflag:$0x2] =	stream.indirect.gather [hbm4b:s1+s22], $0x80, s30, s22, $0xb8;
	[tilespmem:$0x1F780] =	vst v63  }
0x60: {  	s30 =	smov.u32 s29;
	s29 =	sadd.s32 $0x400, s29;
	_ =	swait.ge [sflag:s20], $0x2800  }
0x61: {  	s31 =	sshra.s32 s28, $0x2;
	s28 =	smov.u32 s30;
	[sflag:s20] =	ssyncset.done $0x0  }
0x62: {  	s30 =	sadd.s32 $0x2780, s31;
	[sflag:s20] =	ssyncadd.s32 $0xFFFFD800  }
0x63: {  	[spmem:s3] =	stream.indirect.scatter.add.f32 [tilespmem:s18], [sflag:$0x3], $0x80, s30, s22, $0xb8;
	[tilespmem:$0x1F780] =	vst v63  }
0x64: {  	_ =	swait.ge [sflag:s19], $0x2800  }
0x65: {  	[sflag:s19] =	ssyncset.done $0x0  }
0x66: {  	[sflag:s19] =	ssyncadd.s32 $0xFFFFD800  }
0x67: {  	[tilespmem:s18], [sflag:$0x1] =	stream.indirect.gather [hbm4b:s1+s22], $0x80, s26, s22, $0xb8;
	[tilespmem:$0x1F780] =	vst v63  }
0x68: {  	_ =	swait.ge [sflag:s21], $0x2800  }
.Ltmp1:
0x69: {  	[sflag:s21] =	ssyncset.done $0x0;
	(pc) =	sbr.rel @p0 .LBB2_4-.Ltmp1, $4  }
0x6a: {  	s30 =	sadd.s32 $0x2800, s31;
	[sflag:s21] =	ssyncadd.s32 $0xFFFFD800  }
0x6b: {  	[spmem:s3] =	stream.indirect.scatter.add.f32 [tilespmem:s23], [sflag:$0x3], $0x80, s30, s22, $0xb8;
	[tilespmem:$0x1F780] =	vst v63  }
0x6c: {  	_ =	swait.ge [sflag:s19], $0x2800  }
0x6d: {  	s26 =	sadd.s32 $0xA0, s26;
	[sflag:s19] =	ssyncset.done $0x0  }
0x6e: {  	s29 =	sadd.s32 $0xFFFFFFB0, s26;
	[sflag:s19] =	ssyncadd.s32 $0xFFFFD800  }
0x6f: {  	[tilespmem:s23], [sflag:$0x2] =	stream.indirect.gather [hbm4b:s1+s22], $0x80, s29, s22, $0xb8;
	[tilespmem:$0x1F780] =	vst v63  }
0x70: {  	_ =	swait.ge [sflag:s20], $0x2800  }
0x71: {  	s28 =	sshra.s32 s28, $0x2;
	[sflag:s20] =	ssyncset.done $0x0  }
0x72: {  	s31 =	sadd.s32 $0x2780, s28;
	[sflag:s20] =	ssyncadd.s32 $0xFFFFD800  }
0x73: {  	[spmem:s3] =	stream.indirect.scatter.add.f32 [tilespmem:s18], [sflag:$0x3], $0x80, s31, s22, $0xb8;
	[tilespmem:$0x1F780] =	vst v63  }
0x74: {  	_ =	swait.ge [sflag:s19], $0x2800  }
0x75: {  	[sflag:s19] =	ssyncset.done $0x0  }
0x76: {  	[sflag:s19] =	ssyncadd.s32 $0xFFFFD800  }
0x77: {  	[tilespmem:s18], [sflag:$0x1] =	stream.indirect.gather [hbm4b:s1+s22], $0x80, s26, s22, $0xb8;
	[tilespmem:$0x1F780] =	vst v63  }
0x78: {  	_ =	swait.ge [sflag:s21], $0x2800  }
0x79: {  	[sflag:s21] =	ssyncset.done $0x0  }
0x7a: {  	s29 =	sadd.s32 $0x2800, s28;
	[sflag:s21] =	ssyncadd.s32 $0xFFFFD800  }
0x7b: {  	[spmem:s3] =	stream.indirect.scatter.add.f32 [tilespmem:s23], [sflag:$0x3], $0x80, s29, s22, $0xb8;
	[tilespmem:$0x1F780] =	vst v63  }
0x7c: {  	_ =	swait.ge [sflag:s19], $0x2800  }
0x7d: {  	[sflag:s19] =	ssyncset.done $0x0  }
0x7e: {  	[sflag:s19] =	ssyncadd.s32 $0xFFFFD800  }
0x7f: {  	_ =	swait.ge [sflag:s20], $0x2800  }
0x80: {  	[sflag:s20] =	ssyncset.done $0x0  }
0x81: {  	[sflag:s20] =	ssyncadd.s32 $0xFFFFD800  }
0x82: {  	[spmem:s3] =	stream.indirect.scatter.add.f32 [tilespmem:s18], [sflag:$0x3], $0x80, s24, s22, $0xb8;
	[tilespmem:$0x1F780] =	vst v63  }
0x83: {  	_ =	swait.ge [sflag:s19], $0x2800  }
0x84: {  	s30 =	sshll.u32 s2, $0x6;
	s25 =	sadd.s32 $0x1, s25;
	[sflag:s19] =	ssyncset.done $0x0  }
0x85: {  	p0 =	sne.s32 s25, s9;
	s31 =	sshrl.u32 s7, $0x3;
	[sflag:s19] =	ssyncadd.s32 $0xFFFFD800  }
.Ltmp2:
0x86: {  	s26 =	sor.u32 $0x1C03, s30;
	[bflag:$0x0] =	sbarrier.arrive $0xFFFF;
	(pc) =	sbr.rel @p0 .LBB2_1-.Ltmp2, $4  }
0x87: {  	[hbm:s8], [sflag:s26] =	dma.local [spmem:s31], $0x2800  }
0x88: {  	_ =	swait.ge [sflag:s19], $0x2800  }
0x89: {  	[sflag:s19] =	ssyncset.done $0x0  }
0x8a: {  	[sflag:s19] =	ssyncadd.s32 $0xFFFFD800  }
0x8b: {  	_ =	sfence.sel $0x180000  }
0x8c: {  	[bflag:$0x0] =	sbarrier.arrive $0xFFFF  }
0x8d: {  	p0 =	sne.s32 s2, $0x0;
	_ =	strace $0x9000004A  }
0x8e: {  	s0 =	sadd.s32 @!p0 $0x100000, s0;
	[bflag:$0x2] =	sbarrier.arrive $0xFFFF  }
0x8f: {  	[sflag:s0] =	ssyncadd.tile.s32 @!p0 $0x1;
	_ =	shalt  }
.Lfunc_end2:
_tile_overlayer_lowered:
.L_overlay_start_2:
0x90: {  	(tag) =	ssettag $0x2  }
0x91: {  	s0 =	rddreg [dreg:$0x0];
	s2 =	stileid.u32  }
0x92: {  	s1 =	rddreg [dreg:$0x1];
	p0 =	sne.s32 s2, $0x0  }
0x93: {  	s3 =	rddreg [dreg:$0x2];
	[bflag:$0x3] =	sbarrier.arrive $0xFFFF;
	s2 =	simm.s32 @!p0 $0x1C03  }
0x94: {  	[timem:s3], [sflag:s2] =	dma.local @!p0 [hbm:s0], s1  }
0x95: {  	s0 =	simm.s32 @!p0 $0x3  }
0x96: {  	_ =	swait.ge @!p0 [sflag:s0], s1  }
0x97: {  	s1 =	ssub.s32 @!p0 $0x0, s1;
	[sflag:s0] =	ssyncset.done @!p0 $0x0  }
0x98: {  	[sflag:s0] =	ssyncadd.s32 @!p0 s1  }
0x99: {  	[bflag:$0x3] =	sbarrier.arrive $0xFFFF  }
0x9a: {  	_ =	shalt  }

</sc_bundles>
